<compile_context>
chip_gen: v7x
topology: tpu7x:2x2x1
jax: 0.10.2.dev20260603
libtpu: 0.0.44.dev20260713+nightly
codegen_flags: <defaults>
</compile_context>

<pallas_src>
import functools

import jax
import jax.numpy as jnp
from jax import lax
from jax.experimental import pallas as pl
from jax.experimental.pallas import tpu as pltpu
from jax.experimental.pallas import tpu_sc as plsc

_B, _C = 4096, 1000
_TC_ROWS = 2560
_SC_ROWS = _B - _TC_ROWS
_NW = 32
_RPW = _SC_ROWS // _NW
_CH = 8
_NCH = _RPW // _CH
_FULL = _C // 16
_TBLK = 256

_mesh = plsc.VectorSubcoreMesh(core_axis_name="c", subcore_axis_name="s")


def _elem(x, y, w, idx):
    nx = 0.0 - x
    nax = jnp.minimum(x, nx)
    e = jnp.exp(nax)
    z = e / (2.0 + e)
    z2 = z * z
    p = 1.0 + z2 * (1.0 / 3.0 + z2 * (0.2 + z2 * (1.0 / 7.0)))
    t = 2.0 * z * p + jnp.maximum(nx, 0.0)
    w01 = 0.1 * w + 0.9 * y
    c = jnp.where(idx == 0, 1.0 - w01, 1.0)
    return t + x * (1.0 - y) * c


@functools.partial(
    pl.kernel,
    out_type=jax.ShapeDtypeStruct((_NW, 16), jnp.float32),
    mesh=_mesh,
    scratch_types=[
        pltpu.VMEM((2, _CH, _C), jnp.float32),
        pltpu.VMEM((2, _CH, _C), jnp.float32),
        pltpu.VMEM((2, _CH, _C), jnp.float32),
        pltpu.VMEM((2, _CH, _C), jnp.int32),
        pltpu.VMEM((16,), jnp.float32),
        pltpu.SemaphoreType.DMA((2,)),
    ],
)
def _sc_loss(x_hbm, y_hbm, w_hbm, idx_hbm, out_hbm, bx, by, bw, bidx, accv, sems):
    wid = lax.axis_index("s") * 2 + lax.axis_index("c")
    base = _TC_ROWS + wid * _RPW
    hbms = (x_hbm, y_hbm, w_hbm, idx_hbm)
    bufs = (bx, by, bw, bidx)

    def issue(j):
        slot = lax.rem(j, 2)
        for k in range(4):
            pltpu.async_copy(
                hbms[k].at[pl.ds(base + j * _CH, _CH), :],
                bufs[k].at[slot],
                sems.at[slot],
            )

    def drain(j):
        slot = lax.rem(j, 2)
        for k in range(4):
            pltpu.make_async_copy(
                hbms[k].at[pl.ds(base + j * _CH, _CH), :],
                bufs[k].at[slot],
                sems.at[slot],
            ).wait()

    issue(0)
    tail_keep = lax.iota(jnp.int32, 16) >= 8

    def chunk_body(j, acc):
        slot = lax.rem(j, 2)

        @pl.when(j + 1 < _NCH)
        def _():
            issue(j + 1)

        drain(j)

        def row_body(r, acc_r):
            def col_body(k, a):
                o = k * 16
                v = _elem(
                    bx[slot, r, pl.ds(o, 16)],
                    by[slot, r, pl.ds(o, 16)],
                    bw[slot, r, pl.ds(o, 16)],
                    bidx[slot, r, pl.ds(o, 16)],
                )
                return a + v

            acc_r = lax.fori_loop(0, _FULL, col_body, acc_r, unroll=4)
            vt = _elem(
                bx[slot, r, pl.ds(_C - 16, 16)],
                by[slot, r, pl.ds(_C - 16, 16)],
                bw[slot, r, pl.ds(_C - 16, 16)],
                bidx[slot, r, pl.ds(_C - 16, 16)],
            )
            return acc_r + jnp.where(tail_keep, vt, 0.0)

        return lax.fori_loop(0, _CH, row_body, acc)

    acc = lax.fori_loop(0, _NCH, chunk_body, jnp.zeros((16,), jnp.float32))
    accv[...] = acc
    pltpu.sync_copy(accv, out_hbm.at[wid])


def _tc_body(x_ref, y_ref, w_ref, idx_ref, out_ref):
    def strip(i, acc):
        sl = pl.ds(i * 8, 8)
        xs = x_ref[sl, :]
        ys = y_ref[sl, :]
        ws = w_ref[sl, :]
        ids = idx_ref[sl, :]
        t = jnp.log1p(jnp.exp(-jnp.abs(xs))) + jnp.maximum(-xs, 0.0)
        w01 = 0.1 * ws + 0.9 * ys
        c = jnp.where(ids == 0, 1.0 - w01, 1.0)
        return acc + (t + xs * (1.0 - ys) * c)

    acc = lax.fori_loop(0, _TBLK // 8, strip, jnp.zeros((8, _C), jnp.float32))
    part = jnp.sum(acc)

    @pl.when(pl.program_id(0) == 0)
    def _():
        out_ref[0, 0] = part

    @pl.when(pl.program_id(0) != 0)
    def _():
        out_ref[0, 0] += part


def kernel(x, y, weight_01, weight_00, org_idx):
    del weight_00
    idx = org_idx.astype(jnp.int32)
    tc_total = pl.pallas_call(
        _tc_body,
        grid=(_TC_ROWS // _TBLK,),
        in_specs=[
            pl.BlockSpec((_TBLK, _C), lambda i: (i, 0)),
            pl.BlockSpec((_TBLK, _C), lambda i: (i, 0)),
            pl.BlockSpec((_TBLK, _C), lambda i: (i, 0)),
            pl.BlockSpec((_TBLK, _C), lambda i: (i, 0)),
        ],
        out_specs=pl.BlockSpec(
            (1, 1), lambda i: (0, 0), memory_space=pltpu.SMEM
        ),
        out_shape=jax.ShapeDtypeStruct((1, 1), jnp.float32),
    )(x, y, weight_01, idx)
    partials = _sc_loss(x, y, weight_01, idx)
    return (jnp.sum(partials) + tc_total[0, 0]) / _B

# --- scband reference (transcript-rebuilt; emitter-appended) ---
"""Pipeline reference for scband-my-loss-38817914422176 (READ-ONLY COPY).

The authoritative reference and input builder live on the scoring server;
editing this copy changes nothing except your own understanding.
"""

import jax, jax.numpy as jnp
import numpy as np


def setup_inputs(seed: int = 0) -> dict:
    key = jax.random.key(seed)
    k1, k2, k3, k4, k5 = jax.random.split(key, 5)
    B, C = 4096, 1000
    x = jax.random.normal(k1, (B, C), dtype=jnp.float32)
    y = jax.random.uniform(k2, (B, C), dtype=jnp.float32)
    weight_01 = jax.random.uniform(k3, (B, C), dtype=jnp.float32)
    weight_00 = jax.random.uniform(k4, (B, C), dtype=jnp.float32)
    org_idx = jax.random.randint(k5, (B, C), 0, 2, dtype=jnp.int64)
    return {"x": x, "y": y, "weight_01": weight_01, "weight_00": weight_00, "org_idx": org_idx}


def reference(x, y, weight_01, weight_00, org_idx):
    eps = 1e-08
    r = 0.1
    # weight_01 and weight_00 are recomputed inside forward (input weight_00 is overwritten)
    w01 = r * weight_01 + (1 - r) * y
    w00 = 1 - w01
    x_sigmoid = jax.nn.sigmoid(x)
    x_sigmoid = jnp.squeeze(x_sigmoid)
    bce_loss = -(jnp.log(x_sigmoid + eps) * y + jnp.log(1 - x_sigmoid + eps) * (1 - y))
    # positions where org_idx == 0 get the reweighted loss (scatter-overwrite semantics)
    mask = (org_idx == 0)
    modified = bce_loss * w00 - jnp.log(x_sigmoid) * w01
    total_loss = jnp.where(mask, modified, bce_loss)
    loss = jnp.sum(total_loss, axis=1)
    last_loss = jnp.mean(loss)
    return last_loss

if __name__ == "__main__":
    import jax
    _d = setup_inputs()
    print(jax.jit(kernel)(*tuple(_d.values())))

</pallas_src>

<mosaic_0001>
#map = affine_map<(d0, d1) -> (0, 0)>
module attributes {stable_mosaic.version = 14 : i64} {
  func.func @_sc_loss(%arg0: i32, %arg1: i32, %arg2: memref<4096x1000xf32, #tpu.memory_space<hbm>>, %arg3: memref<4096x1000xf32, #tpu.memory_space<hbm>>, %arg4: memref<4096x1000xf32, #tpu.memory_space<hbm>>, %arg5: memref<4096x1000xi32, #tpu.memory_space<hbm>>, %arg6: memref<32x16xf32, #tpu.memory_space<hbm>>, %arg7: memref<2x8x1000xf32, #tpu.memory_space<vmem>>, %arg8: memref<2x8x1000xf32, #tpu.memory_space<vmem>>, %arg9: memref<2x8x1000xf32, #tpu.memory_space<vmem>>, %arg10: memref<2x8x1000xi32, #tpu.memory_space<vmem>>, %arg11: memref<16xf32, #tpu.memory_space<vmem>>, %arg12: memref<2x!tpu.dma_semaphore, #tpu.memory_space<semaphore_mem>>) attributes {dimension_semantics = [#tpu.dimension_semantics<core_parallel>, #tpu.dimension_semantics<subcore_parallel>], iteration_bounds = array<i64: 2, 16>, scalar_prefetch = 0 : i64, scratch_operands = 6 : i64, tpu.core_type = #tpu.core_type<sc_vector_subcore>, window_params = [{transform_indices = #map}, {transform_indices = #map}, {transform_indices = #map}, {transform_indices = #map}, {transform_indices = #map}]} {
    %mul3A = arith.constant 2 : i32
    %mul3A_0 = arith.muli %arg1, %mul3A : i32
    %add3A = arith.addi %mul3A_0, %arg0 : i32
    %mul3A_1 = arith.constant 48 : i32
    %mul3A_2 = arith.muli %add3A, %mul3A_1 : i32
    %add3A_3 = arith.constant 2560 : i32
    %add3A_4 = arith.addi %add3A_3, %mul3A_2 : i32
    %rem3A = arith.constant 0 : i32
    %rem3A_5 = arith.constant 2 : i32
    %rem3A_6 = arith.remsi %rem3A, %rem3A_5 : i32
    %add3A_7 = arith.constant 0 : i32
    %add3A_8 = arith.addi %add3A_4, %add3A_7 : i32
    %dma_start3A = arith.constant 0 : i32
    %dma_start3A_9 = arith.constant 0 : i32
    %dma_start3A_10 = tpu.memref_slice %arg7[%rem3A_6, %dma_start3A, %dma_start3A_9] : memref<2x8x1000xf32, #tpu.memory_space<vmem>> -> memref<1x8x1000xf32, #tpu.memory_space<vmem>>
    %dma_start3A_11 = tpu.memref_squeeze %dma_start3A_10 : memref<1x8x1000xf32, #tpu.memory_space<vmem>> -> memref<8x1000xf32, #tpu.memory_space<vmem>>
    %dma_start3A_12 = arith.constant 0 : i32
    %dma_start3A_13 = tpu.memref_slice %arg2[%add3A_8, %dma_start3A_12] : memref<4096x1000xf32, #tpu.memory_space<hbm>> -> memref<8x1000xf32, #tpu.memory_space<hbm>>
    %dma_start3A_14 = tpu.memref_slice %arg12[%rem3A_6] : memref<2x!tpu.dma_semaphore, #tpu.memory_space<semaphore_mem>> -> memref<1x!tpu.dma_semaphore, #tpu.memory_space<semaphore_mem>>
    %dma_start3A_15 = tpu.memref_squeeze %dma_start3A_14 : memref<1x!tpu.dma_semaphore, #tpu.memory_space<semaphore_mem>> -> memref<!tpu.dma_semaphore, #tpu.memory_space<semaphore_mem>>
    %dma_start3A_16 = arith.constant 0 : i32
    %dma_start3A_17 = arith.constant 0 : i32
    %dma_start3A_18 = tpu.memref_slice %arg7[%rem3A_6, %dma_start3A_16, %dma_start3A_17] : memref<2x8x1000xf32, #tpu.memory_space<vmem>> -> memref<1x8x1000xf32, #tpu.memory_space<vmem>>
    %dma_start3A_19 = tpu.memref_squeeze %dma_start3A_18 : memref<1x8x1000xf32, #tpu.memory_space<vmem>> -> memref<8x1000xf32, #tpu.memory_space<vmem>>
    %dma_start3A_20 = arith.constant 0 : i32
    %dma_start3A_21 = tpu.memref_slice %arg2[%add3A_8, %dma_start3A_20] : memref<4096x1000xf32, #tpu.memory_space<hbm>> -> memref<8x1000xf32, #tpu.memory_space<hbm>>
    tpu.enqueue_dma source(%dma_start3A_21 : memref<8x1000xf32, #tpu.memory_space<hbm>>) target(%dma_start3A_19 : memref<8x1000xf32, #tpu.memory_space<vmem>>) target_semaphore(%dma_start3A_15 : memref<!tpu.dma_semaphore, #tpu.memory_space<semaphore_mem>>)
    %add3A_22 = arith.constant 0 : i32
    %add3A_23 = arith.addi %add3A_4, %add3A_22 : i32
    %dma_start3A_24 = arith.constant 0 : i32
    %dma_start3A_25 = arith.constant 0 : i32
    %dma_start3A_26 = tpu.memref_slice %arg8[%rem3A_6, %dma_start3A_24, %dma_start3A_25] : memref<2x8x1000xf32, #tpu.memory_space<vmem>> -> memref<1x8x1000xf32, #tpu.memory_space<vmem>>
    %dma_start3A_27 = tpu.memref_squeeze %dma_start3A_26 : memref<1x8x1000xf32, #tpu.memory_space<vmem>> -> memref<8x1000xf32, #tpu.memory_space<vmem>>
    %dma_start3A_28 = arith.constant 0 : i32
    %dma_start3A_29 = tpu.memref_slice %arg3[%add3A_23, %dma_start3A_28] : memref<4096x1000xf32, #tpu.memory_space<hbm>> -> memref<8x1000xf32, #tpu.memory_space<hbm>>
    %dma_start3A_30 = tpu.memref_slice %arg12[%rem3A_6] : memref<2x!tpu.dma_semaphore, #tpu.memory_space<semaphore_mem>> -> memref<1x!tpu.dma_semaphore, #tpu.memory_space<semaphore_mem>>
    %dma_start3A_31 = tpu.memref_squeeze %dma_start3A_30 : memref<1x!tpu.dma_semaphore, #tpu.memory_space<semaphore_mem>> -> memref<!tpu.dma_semaphore, #tpu.memory_space<semaphore_mem>>
    %dma_start3A_32 = arith.constant 0 : i32
    %dma_start3A_33 = arith.constant 0 : i32
    %dma_start3A_34 = tpu.memref_slice %arg8[%rem3A_6, %dma_start3A_32, %dma_start3A_33] : memref<2x8x1000xf32, #tpu.memory_space<vmem>> -> memref<1x8x1000xf32, #tpu.memory_space<vmem>>
    %dma_start3A_35 = tpu.memref_squeeze %dma_start3A_34 : memref<1x8x1000xf32, #tpu.memory_space<vmem>> -> memref<8x1000xf32, #tpu.memory_space<vmem>>
    %dma_start3A_36 = arith.constant 0 : i32
    %dma_start3A_37 = tpu.memref_slice %arg3[%add3A_23, %dma_start3A_36] : memref<4096x1000xf32, #tpu.memory_space<hbm>> -> memref<8x1000xf32, #tpu.memory_space<hbm>>
    tpu.enqueue_dma source(%dma_start3A_37 : memref<8x1000xf32, #tpu.memory_space<hbm>>) target(%dma_start3A_35 : memref<8x1000xf32, #tpu.memory_space<vmem>>) target_semaphore(%dma_start3A_31 : memref<!tpu.dma_semaphore, #tpu.memory_space<semaphore_mem>>)
    %add3A_38 = arith.constant 0 : i32
    %add3A_39 = arith.addi %add3A_4, %add3A_38 : i32
    %dma_start3A_40 = arith.constant 0 : i32
    %dma_start3A_41 = arith.constant 0 : i32
    %dma_start3A_42 = tpu.memref_slice %arg9[%rem3A_6, %dma_start3A_40, %dma_start3A_41] : memref<2x8x1000xf32, #tpu.memory_space<vmem>> -> memref<1x8x1000xf32, #tpu.memory_space<vmem>>
    %dma_start3A_43 = tpu.memref_squeeze %dma_start3A_42 : memref<1x8x1000xf32, #tpu.memory_space<vmem>> -> memref<8x1000xf32, #tpu.memory_space<vmem>>
    %dma_start3A_44 = arith.constant 0 : i32
    %dma_start3A_45 = tpu.memref_slice %arg4[%add3A_39, %dma_start3A_44] : memref<4096x1000xf32, #tpu.memory_space<hbm>> -> memref<8x1000xf32, #tpu.memory_space<hbm>>
    %dma_start3A_46 = tpu.memref_slice %arg12[%rem3A_6] : memref<2x!tpu.dma_semaphore, #tpu.memory_space<semaphore_mem>> -> memref<1x!tpu.dma_semaphore, #tpu.memory_space<semaphore_mem>>
    %dma_start3A_47 = tpu.memref_squeeze %dma_start3A_46 : memref<1x!tpu.dma_semaphore, #tpu.memory_space<semaphore_mem>> -> memref<!tpu.dma_semaphore, #tpu.memory_space<semaphore_mem>>
    %dma_start3A_48 = arith.constant 0 : i32
    %dma_start3A_49 = arith.constant 0 : i32
    %dma_start3A_50 = tpu.memref_slice %arg9[%rem3A_6, %dma_start3A_48, %dma_start3A_49] : memref<2x8x1000xf32, #tpu.memory_space<vmem>> -> memref<1x8x1000xf32, #tpu.memory_space<vmem>>
    %dma_start3A_51 = tpu.memref_squeeze %dma_start3A_50 : memref<1x8x1000xf32, #tpu.memory_space<vmem>> -> memref<8x1000xf32, #tpu.memory_space<vmem>>
    %dma_start3A_52 = arith.constant 0 : i32
    %dma_start3A_53 = tpu.memref_slice %arg4[%add3A_39, %dma_start3A_52] : memref<4096x1000xf32, #tpu.memory_space<hbm>> -> memref<8x1000xf32, #tpu.memory_space<hbm>>
    tpu.enqueue_dma source(%dma_start3A_53 : memref<8x1000xf32, #tpu.memory_space<hbm>>) target(%dma_start3A_51 : memref<8x1000xf32, #tpu.memory_space<vmem>>) target_semaphore(%dma_start3A_47 : memref<!tpu.dma_semaphore, #tpu.memory_space<semaphore_mem>>)
    %add3A_54 = arith.constant 0 : i32
    %add3A_55 = arith.addi %add3A_4, %add3A_54 : i32
    %dma_start3A_56 = arith.constant 0 : i32
    %dma_start3A_57 = arith.constant 0 : i32
    %dma_start3A_58 = tpu.memref_slice %arg10[%rem3A_6, %dma_start3A_56, %dma_start3A_57] : memref<2x8x1000xi32, #tpu.memory_space<vmem>> -> memref<1x8x1000xi32, #tpu.memory_space<vmem>>
    %dma_start3A_59 = tpu.memref_squeeze %dma_start3A_58 : memref<1x8x1000xi32, #tpu.memory_space<vmem>> -> memref<8x1000xi32, #tpu.memory_space<vmem>>
    %dma_start3A_60 = arith.constant 0 : i32
    %dma_start3A_61 = tpu.memref_slice %arg5[%add3A_55, %dma_start3A_60] : memref<4096x1000xi32, #tpu.memory_space<hbm>> -> memref<8x1000xi32, #tpu.memory_space<hbm>>
    %dma_start3A_62 = tpu.memref_slice %arg12[%rem3A_6] : memref<2x!tpu.dma_semaphore, #tpu.memory_space<semaphore_mem>> -> memref<1x!tpu.dma_semaphore, #tpu.memory_space<semaphore_mem>>
    %dma_start3A_63 = tpu.memref_squeeze %dma_start3A_62 : memref<1x!tpu.dma_semaphore, #tpu.memory_space<semaphore_mem>> -> memref<!tpu.dma_semaphore, #tpu.memory_space<semaphore_mem>>
    %dma_start3A_64 = arith.constant 0 : i32
    %dma_start3A_65 = arith.constant 0 : i32
    %dma_start3A_66 = tpu.memref_slice %arg10[%rem3A_6, %dma_start3A_64, %dma_start3A_65] : memref<2x8x1000xi32, #tpu.memory_space<vmem>> -> memref<1x8x1000xi32, #tpu.memory_space<vmem>>
    %dma_start3A_67 = tpu.memref_squeeze %dma_start3A_66 : memref<1x8x1000xi32, #tpu.memory_space<vmem>> -> memref<8x1000xi32, #tpu.memory_space<vmem>>
    %dma_start3A_68 = arith.constant 0 : i32
    %dma_start3A_69 = tpu.memref_slice %arg5[%add3A_55, %dma_start3A_68] : memref<4096x1000xi32, #tpu.memory_space<hbm>> -> memref<8x1000xi32, #tpu.memory_space<hbm>>
    tpu.enqueue_dma source(%dma_start3A_69 : memref<8x1000xi32, #tpu.memory_space<hbm>>) target(%dma_start3A_67 : memref<8x1000xi32, #tpu.memory_space<vmem>>) target_semaphore(%dma_start3A_63 : memref<!tpu.dma_semaphore, #tpu.memory_space<semaphore_mem>>)
    %iota3A = tpu.iota {dimensions = array<i32: 0>} : vector<16xi32>
    %ge3A = arith.constant 8 : i32
    %ge3A_70 = vector.broadcast %ge3A : i32 to vector<16xi32>
    %ge3A_71 = arith.cmpi sge, %iota3A, %ge3A_70 : vector<16xi32>
    %broadcast_in_dim3A = arith.constant 0.000000e+00 : f32
    %broadcast_in_dim3A_72 = vector.broadcast %broadcast_in_dim3A : f32 to vector<16xf32>
    %scan3A = arith.constant 0 : i32
    %scan3A_73 = arith.constant 6 : i32
    %scan3A_74 = arith.addi %scan3A, %scan3A_73 : i32
    %scan3A_75 = arith.constant 1 : i32
    %scan3A_76 = scf.for %scan3A_81 = %scan3A to %scan3A_74 step %scan3A_75 iter_args(%scan3A_82 = %broadcast_in_dim3A_72) -> (vector<16xf32>)  : i32 {
      %rem3A_83 = arith.constant 2 : i32
      %rem3A_84 = arith.remsi %scan3A_81, %rem3A_83 : i32
      %add3A_85 = arith.constant 1 : i32
      %add3A_86 = arith.addi %scan3A_81, %add3A_85 : i32
      %lt3A = arith.constant 6 : i32
      %lt3A_87 = arith.cmpi slt, %add3A_86, %lt3A : i32
      %convert_element_type3A = arith.extui %lt3A_87 : i1 to i32
      %cond3A = arith.constant 0 : i32
      %cond3A_88 = arith.cmpi ne, %convert_element_type3A, %cond3A : i32
      scf.if %cond3A_88 {
        %add3A_164 = arith.constant 1 : i32
        %add3A_165 = arith.addi %scan3A_81, %add3A_164 : i32
        %rem3A_166 = arith.constant 2 : i32
        %rem3A_167 = arith.remsi %add3A_165, %rem3A_166 : i32
        %mul3A_168 = arith.constant 8 : i32
        %mul3A_169 = arith.muli %add3A_165, %mul3A_168 : i32
        %add3A_170 = arith.addi %add3A_4, %mul3A_169 : i32
        %dma_start3A_171 = arith.constant 0 : i32
        %dma_start3A_172 = arith.constant 0 : i32
        %dma_start3A_173 = tpu.memref_slice %arg7[%rem3A_167, %dma_start3A_171, %dma_start3A_172] : memref<2x8x1000xf32, #tpu.memory_space<vmem>> -> memref<1x8x1000xf32, #tpu.memory_space<vmem>>
        %dma_start3A_174 = tpu.memref_squeeze %dma_start3A_173 : memref<1x8x1000xf32, #tpu.memory_space<vmem>> -> memref<8x1000xf32, #tpu.memory_space<vmem>>
        %dma_start3A_175 = arith.constant 0 : i32
        %dma_start3A_176 = tpu.memref_slice %arg2[%add3A_170, %dma_start3A_175] : memref<4096x1000xf32, #tpu.memory_space<hbm>> -> memref<8x1000xf32, #tpu.memory_space<hbm>>
        %dma_start3A_177 = tpu.memref_slice %arg12[%rem3A_167] : memref<2x!tpu.dma_semaphore, #tpu.memory_space<semaphore_mem>> -> memref<1x!tpu.dma_semaphore, #tpu.memory_space<semaphore_mem>>
        %dma_start3A_178 = tpu.memref_squeeze %dma_start3A_177 : memref<1x!tpu.dma_semaphore, #tpu.memory_space<semaphore_mem>> -> memref<!tpu.dma_semaphore, #tpu.memory_space<semaphore_mem>>
        %dma_start3A_179 = arith.constant 0 : i32
        %dma_start3A_180 = arith.constant 0 : i32
        %dma_start3A_181 = tpu.memref_slice %arg7[%rem3A_167, %dma_start3A_179, %dma_start3A_180] : memref<2x8x1000xf32, #tpu.memory_space<vmem>> -> memref<1x8x1000xf32, #tpu.memory_space<vmem>>
        %dma_start3A_182 = tpu.memref_squeeze %dma_start3A_181 : memref<1x8x1000xf32, #tpu.memory_space<vmem>> -> memref<8x1000xf32, #tpu.memory_space<vmem>>
        %dma_start3A_183 = arith.constant 0 : i32
        %dma_start3A_184 = tpu.memref_slice %arg2[%add3A_170, %dma_start3A_183] : memref<4096x1000xf32, #tpu.memory_space<hbm>> -> memref<8x1000xf32, #tpu.memory_space<hbm>>
        tpu.enqueue_dma source(%dma_start3A_184 : memref<8x1000xf32, #tpu.memory_space<hbm>>) target(%dma_start3A_182 : memref<8x1000xf32, #tpu.memory_space<vmem>>) target_semaphore(%dma_start3A_178 : memref<!tpu.dma_semaphore, #tpu.memory_space<semaphore_mem>>)
        %mul3A_185 = arith.constant 8 : i32
        %mul3A_186 = arith.muli %add3A_165, %mul3A_185 : i32
        %add3A_187 = arith.addi %add3A_4, %mul3A_186 : i32
        %dma_start3A_188 = arith.constant 0 : i32
        %dma_start3A_189 = arith.constant 0 : i32
        %dma_start3A_190 = tpu.memref_slice %arg8[%rem3A_167, %dma_start3A_188, %dma_start3A_189] : memref<2x8x1000xf32, #tpu.memory_space<vmem>> -> memref<1x8x1000xf32, #tpu.memory_space<vmem>>
        %dma_start3A_191 = tpu.memref_squeeze %dma_start3A_190 : memref<1x8x1000xf32, #tpu.memory_space<vmem>> -> memref<8x1000xf32, #tpu.memory_space<vmem>>
        %dma_start3A_192 = arith.constant 0 : i32
        %dma_start3A_193 = tpu.memref_slice %arg3[%add3A_187, %dma_start3A_192] : memref<4096x1000xf32, #tpu.memory_space<hbm>> -> memref<8x1000xf32, #tpu.memory_space<hbm>>
        %dma_start3A_194 = tpu.memref_slice %arg12[%rem3A_167] : memref<2x!tpu.dma_semaphore, #tpu.memory_space<semaphore_mem>> -> memref<1x!tpu.dma_semaphore, #tpu.memory_space<semaphore_mem>>
        %dma_start3A_195 = tpu.memref_squeeze %dma_start3A_194 : memref<1x!tpu.dma_semaphore, #tpu.memory_space<semaphore_mem>> -> memref<!tpu.dma_semaphore, #tpu.memory_space<semaphore_mem>>
        %dma_start3A_196 = arith.constant 0 : i32
        %dma_start3A_197 = arith.constant 0 : i32
        %dma_start3A_198 = tpu.memref_slice %arg8[%rem3A_167, %dma_start3A_196, %dma_start3A_197] : memref<2x8x1000xf32, #tpu.memory_space<vmem>> -> memref<1x8x1000xf32, #tpu.memory_space<vmem>>
        %dma_start3A_199 = tpu.memref_squeeze %dma_start3A_198 : memref<1x8x1000xf32, #tpu.memory_space<vmem>> -> memref<8x1000xf32, #tpu.memory_space<vmem>>
        %dma_start3A_200 = arith.constant 0 : i32
        %dma_start3A_201 = tpu.memref_slice %arg3[%add3A_187, %dma_start3A_200] : memref<4096x1000xf32, #tpu.memory_space<hbm>> -> memref<8x1000xf32, #tpu.memory_space<hbm>>
        tpu.enqueue_dma source(%dma_start3A_201 : memref<8x1000xf32, #tpu.memory_space<hbm>>) target(%dma_start3A_199 : memref<8x1000xf32, #tpu.memory_space<vmem>>) target_semaphore(%dma_start3A_195 : memref<!tpu.dma_semaphore, #tpu.memory_space<semaphore_mem>>)
        %mul3A_202 = arith.constant 8 : i32
        %mul3A_203 = arith.muli %add3A_165, %mul3A_202 : i32
        %add3A_204 = arith.addi %add3A_4, %mul3A_203 : i32
        %dma_start3A_205 = arith.constant 0 : i32
        %dma_start3A_206 = arith.constant 0 : i32
        %dma_start3A_207 = tpu.memref_slice %arg9[%rem3A_167, %dma_start3A_205, %dma_start3A_206] : memref<2x8x1000xf32, #tpu.memory_space<vmem>> -> memref<1x8x1000xf32, #tpu.memory_space<vmem>>
        %dma_start3A_208 = tpu.memref_squeeze %dma_start3A_207 : memref<1x8x1000xf32, #tpu.memory_space<vmem>> -> memref<8x1000xf32, #tpu.memory_space<vmem>>
        %dma_start3A_209 = arith.constant 0 : i32
        %dma_start3A_210 = tpu.memref_slice %arg4[%add3A_204, %dma_start3A_209] : memref<4096x1000xf32, #tpu.memory_space<hbm>> -> memref<8x1000xf32, #tpu.memory_space<hbm>>
        %dma_start3A_211 = tpu.memref_slice %arg12[%rem3A_167] : memref<2x!tpu.dma_semaphore, #tpu.memory_space<semaphore_mem>> -> memref<1x!tpu.dma_semaphore, #tpu.memory_space<semaphore_mem>>
        %dma_start3A_212 = tpu.memref_squeeze %dma_start3A_211 : memref<1x!tpu.dma_semaphore, #tpu.memory_space<semaphore_mem>> -> memref<!tpu.dma_semaphore, #tpu.memory_space<semaphore_mem>>
        %dma_start3A_213 = arith.constant 0 : i32
        %dma_start3A_214 = arith.constant 0 : i32
        %dma_start3A_215 = tpu.memref_slice %arg9[%rem3A_167, %dma_start3A_213, %dma_start3A_214] : memref<2x8x1000xf32, #tpu.memory_space<vmem>> -> memref<1x8x1000xf32, #tpu.memory_space<vmem>>
        %dma_start3A_216 = tpu.memref_squeeze %dma_start3A_215 : memref<1x8x1000xf32, #tpu.memory_space<vmem>> -> memref<8x1000xf32, #tpu.memory_space<vmem>>
        %dma_start3A_217 = arith.constant 0 : i32
        %dma_start3A_218 = tpu.memref_slice %arg4[%add3A_204, %dma_start3A_217] : memref<4096x1000xf32, #tpu.memory_space<hbm>> -> memref<8x1000xf32, #tpu.memory_space<hbm>>
        tpu.enqueue_dma source(%dma_start3A_218 : memref<8x1000xf32, #tpu.memory_space<hbm>>) target(%dma_start3A_216 : memref<8x1000xf32, #tpu.memory_space<vmem>>) target_semaphore(%dma_start3A_212 : memref<!tpu.dma_semaphore, #tpu.memory_space<semaphore_mem>>)
        %mul3A_219 = arith.constant 8 : i32
        %mul3A_220 = arith.muli %add3A_165, %mul3A_219 : i32
        %add3A_221 = arith.addi %add3A_4, %mul3A_220 : i32
        %dma_start3A_222 = arith.constant 0 : i32
        %dma_start3A_223 = arith.constant 0 : i32
        %dma_start3A_224 = tpu.memref_slice %arg10[%rem3A_167, %dma_start3A_222, %dma_start3A_223] : memref<2x8x1000xi32, #tpu.memory_space<vmem>> -> memref<1x8x1000xi32, #tpu.memory_space<vmem>>
        %dma_start3A_225 = tpu.memref_squeeze %dma_start3A_224 : memref<1x8x1000xi32, #tpu.memory_space<vmem>> -> memref<8x1000xi32, #tpu.memory_space<vmem>>
        %dma_start3A_226 = arith.constant 0 : i32
        %dma_start3A_227 = tpu.memref_slice %arg5[%add3A_221, %dma_start3A_226] : memref<4096x1000xi32, #tpu.memory_space<hbm>> -> memref<8x1000xi32, #tpu.memory_space<hbm>>
        %dma_start3A_228 = tpu.memref_slice %arg12[%rem3A_167] : memref<2x!tpu.dma_semaphore, #tpu.memory_space<semaphore_mem>> -> memref<1x!tpu.dma_semaphore, #tpu.memory_space<semaphore_mem>>
        %dma_start3A_229 = tpu.memref_squeeze %dma_start3A_228 : memref<1x!tpu.dma_semaphore, #tpu.memory_space<semaphore_mem>> -> memref<!tpu.dma_semaphore, #tpu.memory_space<semaphore_mem>>
        %dma_start3A_230 = arith.constant 0 : i32
        %dma_start3A_231 = arith.constant 0 : i32
        %dma_start3A_232 = tpu.memref_slice %arg10[%rem3A_167, %dma_start3A_230, %dma_start3A_231] : memref<2x8x1000xi32, #tpu.memory_space<vmem>> -> memref<1x8x1000xi32, #tpu.memory_space<vmem>>
        %dma_start3A_233 = tpu.memref_squeeze %dma_start3A_232 : memref<1x8x1000xi32, #tpu.memory_space<vmem>> -> memref<8x1000xi32, #tpu.memory_space<vmem>>
        %dma_start3A_234 = arith.constant 0 : i32
        %dma_start3A_235 = tpu.memref_slice %arg5[%add3A_221, %dma_start3A_234] : memref<4096x1000xi32, #tpu.memory_space<hbm>> -> memref<8x1000xi32, #tpu.memory_space<hbm>>
        tpu.enqueue_dma source(%dma_start3A_235 : memref<8x1000xi32, #tpu.memory_space<hbm>>) target(%dma_start3A_233 : memref<8x1000xi32, #tpu.memory_space<vmem>>) target_semaphore(%dma_start3A_229 : memref<!tpu.dma_semaphore, #tpu.memory_space<semaphore_mem>>)
      } else {
      }
      %rem3A_89 = arith.constant 2 : i32
      %rem3A_90 = arith.remsi %scan3A_81, %rem3A_89 : i32
      %mul3A_91 = arith.constant 8 : i32
      %mul3A_92 = arith.muli %scan3A_81, %mul3A_91 : i32
      %add3A_93 = arith.addi %add3A_4, %mul3A_92 : i32
      %dma_wait3A = arith.constant 0 : i32
      %dma_wait3A_94 = arith.constant 0 : i32
      %dma_wait3A_95 = tpu.memref_slice %arg7[%rem3A_90, %dma_wait3A, %dma_wait3A_94] : memref<2x8x1000xf32, #tpu.memory_space<vmem>> -> memref<1x8x1000xf32, #tpu.memory_space<vmem>>
      %dma_wait3A_96 = tpu.memref_squeeze %dma_wait3A_95 : memref<1x8x1000xf32, #tpu.memory_space<vmem>> -> memref<8x1000xf32, #tpu.memory_space<vmem>>
      %dma_wait3A_97 = arith.constant 0 : i32
      %dma_wait3A_98 = tpu.memref_slice %arg2[%add3A_93, %dma_wait3A_97] : memref<4096x1000xf32, #tpu.memory_space<hbm>> -> memref<8x1000xf32, #tpu.memory_space<hbm>>
      %dma_wait3A_99 = tpu.memref_slice %arg12[%rem3A_90] : memref<2x!tpu.dma_semaphore, #tpu.memory_space<semaphore_mem>> -> memref<1x!tpu.dma_semaphore, #tpu.memory_space<semaphore_mem>>
      %dma_wait3A_100 = tpu.memref_squeeze %dma_wait3A_99 : memref<1x!tpu.dma_semaphore, #tpu.memory_space<semaphore_mem>> -> memref<!tpu.dma_semaphore, #tpu.memory_space<semaphore_mem>>
      %dma_wait3A_101 = arith.constant 0 : i32
      %dma_wait3A_102 = arith.constant 0 : i32
      %dma_wait3A_103 = tpu.memref_slice %arg7[%rem3A_90, %dma_wait3A_101, %dma_wait3A_102] : memref<2x8x1000xf32, #tpu.memory_space<vmem>> -> memref<1x8x1000xf32, #tpu.memory_space<vmem>>
      %dma_wait3A_104 = tpu.memref_squeeze %dma_wait3A_103 : memref<1x8x1000xf32, #tpu.memory_space<vmem>> -> memref<8x1000xf32, #tpu.memory_space<vmem>>
      %dma_wait3A_105 = arith.constant 0 : i32
      %dma_wait3A_106 = tpu.memref_slice %arg2[%add3A_93, %dma_wait3A_105] : memref<4096x1000xf32, #tpu.memory_space<hbm>> -> memref<8x1000xf32, #tpu.memory_space<hbm>>
      tpu.wait_dma2 semaphore(%dma_wait3A_100 : memref<!tpu.dma_semaphore, #tpu.memory_space<semaphore_mem>>) src(%dma_wait3A_106 : memref<8x1000xf32, #tpu.memory_space<hbm>>) dst(%dma_wait3A_104 : memref<8x1000xf32, #tpu.memory_space<vmem>>)
      %mul3A_107 = arith.constant 8 : i32
      %mul3A_108 = arith.muli %scan3A_81, %mul3A_107 : i32
      %add3A_109 = arith.addi %add3A_4, %mul3A_108 : i32
      %dma_wait3A_110 = arith.constant 0 : i32
      %dma_wait3A_111 = arith.constant 0 : i32
      %dma_wait3A_112 = tpu.memref_slice %arg8[%rem3A_90, %dma_wait3A_110, %dma_wait3A_111] : memref<2x8x1000xf32, #tpu.memory_space<vmem>> -> memref<1x8x1000xf32, #tpu.memory_space<vmem>>
      %dma_wait3A_113 = tpu.memref_squeeze %dma_wait3A_112 : memref<1x8x1000xf32, #tpu.memory_space<vmem>> -> memref<8x1000xf32, #tpu.memory_space<vmem>>
      %dma_wait3A_114 = arith.constant 0 : i32
      %dma_wait3A_115 = tpu.memref_slice %arg3[%add3A_109, %dma_wait3A_114] : memref<4096x1000xf32, #tpu.memory_space<hbm>> -> memref<8x1000xf32, #tpu.memory_space<hbm>>
      %dma_wait3A_116 = tpu.memref_slice %arg12[%rem3A_90] : memref<2x!tpu.dma_semaphore, #tpu.memory_space<semaphore_mem>> -> memref<1x!tpu.dma_semaphore, #tpu.memory_space<semaphore_mem>>
      %dma_wait3A_117 = tpu.memref_squeeze %dma_wait3A_116 : memref<1x!tpu.dma_semaphore, #tpu.memory_space<semaphore_mem>> -> memref<!tpu.dma_semaphore, #tpu.memory_space<semaphore_mem>>
      %dma_wait3A_118 = arith.constant 0 : i32
      %dma_wait3A_119 = arith.constant 0 : i32
      %dma_wait3A_120 = tpu.memref_slice %arg8[%rem3A_90, %dma_wait3A_118, %dma_wait3A_119] : memref<2x8x1000xf32, #tpu.memory_space<vmem>> -> memref<1x8x1000xf32, #tpu.memory_space<vmem>>
      %dma_wait3A_121 = tpu.memref_squeeze %dma_wait3A_120 : memref<1x8x1000xf32, #tpu.memory_space<vmem>> -> memref<8x1000xf32, #tpu.memory_space<vmem>>
      %dma_wait3A_122 = arith.constant 0 : i32
      %dma_wait3A_123 = tpu.memref_slice %arg3[%add3A_109, %dma_wait3A_122] : memref<4096x1000xf32, #tpu.memory_space<hbm>> -> memref<8x1000xf32, #tpu.memory_space<hbm>>
      tpu.wait_dma2 semaphore(%dma_wait3A_117 : memref<!tpu.dma_semaphore, #tpu.memory_space<semaphore_mem>>) src(%dma_wait3A_123 : memref<8x1000xf32, #tpu.memory_space<hbm>>) dst(%dma_wait3A_121 : memref<8x1000xf32, #tpu.memory_space<vmem>>)
      %mul3A_124 = arith.constant 8 : i32
      %mul3A_125 = arith.muli %scan3A_81, %mul3A_124 : i32
      %add3A_126 = arith.addi %add3A_4, %mul3A_125 : i32
      %dma_wait3A_127 = arith.constant 0 : i32
      %dma_wait3A_128 = arith.constant 0 : i32
      %dma_wait3A_129 = tpu.memref_slice %arg9[%rem3A_90, %dma_wait3A_127, %dma_wait3A_128] : memref<2x8x1000xf32, #tpu.memory_space<vmem>> -> memref<1x8x1000xf32, #tpu.memory_space<vmem>>
      %dma_wait3A_130 = tpu.memref_squeeze %dma_wait3A_129 : memref<1x8x1000xf32, #tpu.memory_space<vmem>> -> memref<8x1000xf32, #tpu.memory_space<vmem>>
      %dma_wait3A_131 = arith.constant 0 : i32
      %dma_wait3A_132 = tpu.memref_slice %arg4[%add3A_126, %dma_wait3A_131] : memref<4096x1000xf32, #tpu.memory_space<hbm>> -> memref<8x1000xf32, #tpu.memory_space<hbm>>
      %dma_wait3A_133 = tpu.memref_slice %arg12[%rem3A_90] : memref<2x!tpu.dma_semaphore, #tpu.memory_space<semaphore_mem>> -> memref<1x!tpu.dma_semaphore, #tpu.memory_space<semaphore_mem>>
      %dma_wait3A_134 = tpu.memref_squeeze %dma_wait3A_133 : memref<1x!tpu.dma_semaphore, #tpu.memory_space<semaphore_mem>> -> memref<!tpu.dma_semaphore, #tpu.memory_space<semaphore_mem>>
      %dma_wait3A_135 = arith.constant 0 : i32
      %dma_wait3A_136 = arith.constant 0 : i32
      %dma_wait3A_137 = tpu.memref_slice %arg9[%rem3A_90, %dma_wait3A_135, %dma_wait3A_136] : memref<2x8x1000xf32, #tpu.memory_space<vmem>> -> memref<1x8x1000xf32, #tpu.memory_space<vmem>>
      %dma_wait3A_138 = tpu.memref_squeeze %dma_wait3A_137 : memref<1x8x1000xf32, #tpu.memory_space<vmem>> -> memref<8x1000xf32, #tpu.memory_space<vmem>>
      %dma_wait3A_139 = arith.constant 0 : i32
      %dma_wait3A_140 = tpu.memref_slice %arg4[%add3A_126, %dma_wait3A_139] : memref<4096x1000xf32, #tpu.memory_space<hbm>> -> memref<8x1000xf32, #tpu.memory_space<hbm>>
      tpu.wait_dma2 semaphore(%dma_wait3A_134 : memref<!tpu.dma_semaphore, #tpu.memory_space<semaphore_mem>>) src(%dma_wait3A_140 : memref<8x1000xf32, #tpu.memory_space<hbm>>) dst(%dma_wait3A_138 : memref<8x1000xf32, #tpu.memory_space<vmem>>)
      %mul3A_141 = arith.constant 8 : i32
      %mul3A_142 = arith.muli %scan3A_81, %mul3A_141 : i32
      %add3A_143 = arith.addi %add3A_4, %mul3A_142 : i32
      %dma_wait3A_144 = arith.constant 0 : i32
      %dma_wait3A_145 = arith.constant 0 : i32
      %dma_wait3A_146 = tpu.memref_slice %arg10[%rem3A_90, %dma_wait3A_144, %dma_wait3A_145] : memref<2x8x1000xi32, #tpu.memory_space<vmem>> -> memref<1x8x1000xi32, #tpu.memory_space<vmem>>
      %dma_wait3A_147 = tpu.memref_squeeze %dma_wait3A_146 : memref<1x8x1000xi32, #tpu.memory_space<vmem>> -> memref<8x1000xi32, #tpu.memory_space<vmem>>
      %dma_wait3A_148 = arith.constant 0 : i32
      %dma_wait3A_149 = tpu.memref_slice %arg5[%add3A_143, %dma_wait3A_148] : memref<4096x1000xi32, #tpu.memory_space<hbm>> -> memref<8x1000xi32, #tpu.memory_space<hbm>>
      %dma_wait3A_150 = tpu.memref_slice %arg12[%rem3A_90] : memref<2x!tpu.dma_semaphore, #tpu.memory_space<semaphore_mem>> -> memref<1x!tpu.dma_semaphore, #tpu.memory_space<semaphore_mem>>
      %dma_wait3A_151 = tpu.memref_squeeze %dma_wait3A_150 : memref<1x!tpu.dma_semaphore, #tpu.memory_space<semaphore_mem>> -> memref<!tpu.dma_semaphore, #tpu.memory_space<semaphore_mem>>
      %dma_wait3A_152 = arith.constant 0 : i32
      %dma_wait3A_153 = arith.constant 0 : i32
      %dma_wait3A_154 = tpu.memref_slice %arg10[%rem3A_90, %dma_wait3A_152, %dma_wait3A_153] : memref<2x8x1000xi32, #tpu.memory_space<vmem>> -> memref<1x8x1000xi32, #tpu.memory_space<vmem>>
      %dma_wait3A_155 = tpu.memref_squeeze %dma_wait3A_154 : memref<1x8x1000xi32, #tpu.memory_space<vmem>> -> memref<8x1000xi32, #tpu.memory_space<vmem>>
      %dma_wait3A_156 = arith.constant 0 : i32
      %dma_wait3A_157 = tpu.memref_slice %arg5[%add3A_143, %dma_wait3A_156] : memref<4096x1000xi32, #tpu.memory_space<hbm>> -> memref<8x1000xi32, #tpu.memory_space<hbm>>
      tpu.wait_dma2 semaphore(%dma_wait3A_151 : memref<!tpu.dma_semaphore, #tpu.memory_space<semaphore_mem>>) src(%dma_wait3A_157 : memref<8x1000xi32, #tpu.memory_space<hbm>>) dst(%dma_wait3A_155 : memref<8x1000xi32, #tpu.memory_space<vmem>>)
      %scan3A_158 = arith.constant 0 : i32
      %scan3A_159 = arith.constant 8 : i32
      %scan3A_160 = arith.addi %scan3A_158, %scan3A_159 : i32
      %scan3A_161 = arith.constant 1 : i32
      %scan3A_162 = scf.for %scan3A_164 = %scan3A_158 to %scan3A_160 step %scan3A_161 iter_args(%scan3A_165 = %scan3A_82) -> (vector<16xf32>)  : i32 {
        %scan3A_166 = arith.constant 0 : i32
        %scan3A_167 = arith.constant 60 : i32
        %scan3A_168 = arith.addi %scan3A_166, %scan3A_167 : i32
        %scan3A_169 = arith.constant 4 : i32
        %scan3A_170 = scf.for %scan3A_399 = %scan3A_166 to %scan3A_168 step %scan3A_169 iter_args(%scan3A_400 = %scan3A_165) -> (vector<16xf32>)  : i32 {
          %mul3A_401 = arith.constant 16 : i32
          %mul3A_402 = arith.muli %scan3A_399, %mul3A_401 : i32
          %get3A_403 = arith.index_cast %rem3A_84 : i32 to index
          %get3A_404 = arith.index_cast %scan3A_164 : i32 to index
          %get3A_405 = arith.index_cast %mul3A_402 : i32 to index
          %get3A_406 = tpu.vector_load %arg7[%get3A_403, %get3A_404, %get3A_405] {strides = array<i32>} : memref<2x8x1000xf32, #tpu.memory_space<vmem>>, vector<1x1x16xf32>,
          %get3A_407 = vector.shape_cast %get3A_406 : vector<1x1x16xf32> to vector<16xf32>
          %get3A_408 = arith.index_cast %rem3A_84 : i32 to index
          %get3A_409 = arith.index_cast %scan3A_164 : i32 to index
          %get3A_410 = arith.index_cast %mul3A_402 : i32 to index
          %get3A_411 = tpu.vector_load %arg8[%get3A_408, %get3A_409, %get3A_410] {strides = array<i32>} : memref<2x8x1000xf32, #tpu.memory_space<vmem>>, vector<1x1x16xf32>,
          %get3A_412 = vector.shape_cast %get3A_411 : vector<1x1x16xf32> to vector<16xf32>
          %get3A_413 = arith.index_cast %rem3A_84 : i32 to index
          %get3A_414 = arith.index_cast %scan3A_164 : i32 to index
          %get3A_415 = arith.index_cast %mul3A_402 : i32 to index
          %get3A_416 = tpu.vector_load %arg9[%get3A_413, %get3A_414, %get3A_415] {strides = array<i32>} : memref<2x8x1000xf32, #tpu.memory_space<vmem>>, vector<1x1x16xf32>,
          %get3A_417 = vector.shape_cast %get3A_416 : vector<1x1x16xf32> to vector<16xf32>
          %get3A_418 = arith.index_cast %rem3A_84 : i32 to index
          %get3A_419 = arith.index_cast %scan3A_164 : i32 to index
          %get3A_420 = arith.index_cast %mul3A_402 : i32 to index
          %get3A_421 = tpu.vector_load %arg10[%get3A_418, %get3A_419, %get3A_420] {strides = array<i32>} : memref<2x8x1000xi32, #tpu.memory_space<vmem>>, vector<1x1x16xi32>,
          %get3A_422 = vector.shape_cast %get3A_421 : vector<1x1x16xi32> to vector<16xi32>
          %sub3A_423 = arith.constant 0.000000e+00 : f32
          %sub3A_424 = vector.broadcast %sub3A_423 : f32 to vector<16xf32>
          %sub3A_425 = arith.subf %sub3A_424, %get3A_407 : vector<16xf32>
          %min3A_426 = arith.minimumf %get3A_407, %sub3A_425 : vector<16xf32>
          %exp3A_427 = math.exp %min3A_426 : vector<16xf32>
          %add3A_428 = arith.constant 2.000000e+00 : f32
          %add3A_429 = vector.broadcast %add3A_428 : f32 to vector<16xf32>
          %add3A_430 = arith.addf %add3A_429, %exp3A_427 : vector<16xf32>
          %div3A_431 = arith.divf %exp3A_427, %add3A_430 : vector<16xf32>
          %mul3A_432 = arith.mulf %div3A_431, %div3A_431 : vector<16xf32>
          %mul3A_433 = arith.constant 0.142857149 : f32
          %mul3A_434 = vector.broadcast %mul3A_433 : f32 to vector<16xf32>
          %mul3A_435 = arith.mulf %mul3A_432, %mul3A_434 : vector<16xf32>
          %add3A_436 = arith.constant 2.000000e-01 : f32
          %add3A_437 = vector.broadcast %add3A_436 : f32 to vector<16xf32>
          %add3A_438 = arith.addf %add3A_437, %mul3A_435 : vector<16xf32>
          %mul3A_439 = arith.mulf %mul3A_432, %add3A_438 : vector<16xf32>
          %add3A_440 = arith.constant 0.333333343 : f32
          %add3A_441 = vector.broadcast %add3A_440 : f32 to vector<16xf32>
          %add3A_442 = arith.addf %add3A_441, %mul3A_439 : vector<16xf32>
          %mul3A_443 = arith.mulf %mul3A_432, %add3A_442 : vector<16xf32>
          %add3A_444 = arith.constant 1.000000e+00 : f32
          %add3A_445 = vector.broadcast %add3A_444 : f32 to vector<16xf32>
          %add3A_446 = arith.addf %add3A_445, %mul3A_443 : vector<16xf32>
          %mul3A_447 = arith.constant 2.000000e+00 : f32
          %mul3A_448 = vector.broadcast %mul3A_447 : f32 to vector<16xf32>
          %mul3A_449 = arith.mulf %mul3A_448, %div3A_431 : vector<16xf32>
          %mul3A_450 = arith.mulf %mul3A_449, %add3A_446 : vector<16xf32>
          %max3A_451 = arith.constant 0.000000e+00 : f32
          %max3A_452 = vector.broadcast %max3A_451 : f32 to vector<16xf32>
          %max3A_453 = arith.maximumf %sub3A_425, %max3A_452 : vector<16xf32>
          %add3A_454 = arith.addf %mul3A_450, %max3A_453 : vector<16xf32>
          %mul3A_455 = arith.constant 1.000000e-01 : f32
          %mul3A_456 = vector.broadcast %mul3A_455 : f32 to vector<16xf32>
          %mul3A_457 = arith.mulf %mul3A_456, %get3A_417 : vector<16xf32>
          %mul3A_458 = arith.constant 0.899999976 : f32
          %mul3A_459 = vector.broadcast %mul3A_458 : f32 to vector<16xf32>
          %mul3A_460 = arith.mulf %mul3A_459, %get3A_412 : vector<16xf32>
          %add3A_461 = arith.addf %mul3A_457, %mul3A_460 : vector<16xf32>
          %eq3A_462 = arith.constant 0 : i32
          %eq3A_463 = vector.broadcast %eq3A_462 : i32 to vector<16xi32>
          %eq3A_464 = arith.cmpi eq, %get3A_422, %eq3A_463 : vector<16xi32>
          %sub3A_465 = arith.constant 1.000000e+00 : f32
          %sub3A_466 = vector.broadcast %sub3A_465 : f32 to vector<16xf32>
          %sub3A_467 = arith.subf %sub3A_466, %add3A_461 : vector<16xf32>
          %jit3A_468 = arith.constant 1.000000e+00 : f32
          %broadcast_in_dim3A_469 = vector.broadcast %jit3A_468 : f32 to vector<16xf32>
          %select_n3A_470 = arith.select %eq3A_464, %sub3A_467, %broadcast_in_dim3A_469 : vector<16xi1>, vector<16xf32>
          %sub3A_471 = arith.constant 1.000000e+00 : f32
          %sub3A_472 = vector.broadcast %sub3A_471 : f32 to vector<16xf32>
          %sub3A_473 = arith.subf %sub3A_472, %get3A_412 : vector<16xf32>
          %mul3A_474 = arith.mulf %get3A_407, %sub3A_473 : vector<16xf32>
          %mul3A_475 = arith.mulf %mul3A_474, %select_n3A_470 : vector<16xf32>
          %add3A_476 = arith.addf %add3A_454, %mul3A_475 : vector<16xf32>
          %add3A_477 = arith.addf %scan3A_400, %add3A_476 : vector<16xf32>
          %scan3A_478 = arith.constant 1 : i32
          %scan3A_479 = arith.addi %scan3A_399, %scan3A_478 : i32
          %mul3A_480 = arith.constant 16 : i32
          %mul3A_481 = arith.muli %scan3A_479, %mul3A_480 : i32
          %get3A_482 = arith.index_cast %rem3A_84 : i32 to index
          %get3A_483 = arith.index_cast %scan3A_164 : i32 to index
          %get3A_484 = arith.index_cast %mul3A_481 : i32 to index
          %get3A_485 = tpu.vector_load %arg7[%get3A_482, %get3A_483, %get3A_484] {strides = array<i32>} : memref<2x8x1000xf32, #tpu.memory_space<vmem>>, vector<1x1x16xf32>,
          %get3A_486 = vector.shape_cast %get3A_485 : vector<1x1x16xf32> to vector<16xf32>
          %get3A_487 = arith.index_cast %rem3A_84 : i32 to index
          %get3A_488 = arith.index_cast %scan3A_164 : i32 to index
          %get3A_489 = arith.index_cast %mul3A_481 : i32 to index
          %get3A_490 = tpu.vector_load %arg8[%get3A_487, %get3A_488, %get3A_489] {strides = array<i32>} : memref<2x8x1000xf32, #tpu.memory_space<vmem>>, vector<1x1x16xf32>,
          %get3A_491 = vector.shape_cast %get3A_490 : vector<1x1x16xf32> to vector<16xf32>
          %get3A_492 = arith.index_cast %rem3A_84 : i32 to index
          %get3A_493 = arith.index_cast %scan3A_164 : i32 to index
          %get3A_494 = arith.index_cast %mul3A_481 : i32 to index
          %get3A_495 = tpu.vector_load %arg9[%get3A_492, %get3A_493, %get3A_494] {strides = array<i32>} : memref<2x8x1000xf32, #tpu.memory_space<vmem>>, vector<1x1x16xf32>,
          %get3A_496 = vector.shape_cast %get3A_495 : vector<1x1x16xf32> to vector<16xf32>
          %get3A_497 = arith.index_cast %rem3A_84 : i32 to index
          %get3A_498 = arith.index_cast %scan3A_164 : i32 to index
          %get3A_499 = arith.index_cast %mul3A_481 : i32 to index
          %get3A_500 = tpu.vector_load %arg10[%get3A_497, %get3A_498, %get3A_499] {strides = array<i32>} : memref<2x8x1000xi32, #tpu.memory_space<vmem>>, vector<1x1x16xi32>,
          %get3A_501 = vector.shape_cast %get3A_500 : vector<1x1x16xi32> to vector<16xi32>
          %sub3A_502 = arith.constant 0.000000e+00 : f32
          %sub3A_503 = vector.broadcast %sub3A_502 : f32 to vector<16xf32>
          %sub3A_504 = arith.subf %sub3A_503, %get3A_486 : vector<16xf32>
          %min3A_505 = arith.minimumf %get3A_486, %sub3A_504 : vector<16xf32>
          %exp3A_506 = math.exp %min3A_505 : vector<16xf32>
          %add3A_507 = arith.constant 2.000000e+00 : f32
          %add3A_508 = vector.broadcast %add3A_507 : f32 to vector<16xf32>
          %add3A_509 = arith.addf %add3A_508, %exp3A_506 : vector<16xf32>
          %div3A_510 = arith.divf %exp3A_506, %add3A_509 : vector<16xf32>
          %mul3A_511 = arith.mulf %div3A_510, %div3A_510 : vector<16xf32>
          %mul3A_512 = arith.constant 0.142857149 : f32
          %mul3A_513 = vector.broadcast %mul3A_512 : f32 to vector<16xf32>
          %mul3A_514 = arith.mulf %mul3A_511, %mul3A_513 : vector<16xf32>
          %add3A_515 = arith.constant 2.000000e-01 : f32
          %add3A_516 = vector.broadcast %add3A_515 : f32 to vector<16xf32>
          %add3A_517 = arith.addf %add3A_516, %mul3A_514 : vector<16xf32>
          %mul3A_518 = arith.mulf %mul3A_511, %add3A_517 : vector<16xf32>
          %add3A_519 = arith.constant 0.333333343 : f32
          %add3A_520 = vector.broadcast %add3A_519 : f32 to vector<16xf32>
          %add3A_521 = arith.addf %add3A_520, %mul3A_518 : vector<16xf32>
          %mul3A_522 = arith.mulf %mul3A_511, %add3A_521 : vector<16xf32>
          %add3A_523 = arith.constant 1.000000e+00 : f32
          %add3A_524 = vector.broadcast %add3A_523 : f32 to vector<16xf32>
          %add3A_525 = arith.addf %add3A_524, %mul3A_522 : vector<16xf32>
          %mul3A_526 = arith.constant 2.000000e+00 : f32
          %mul3A_527 = vector.broadcast %mul3A_526 : f32 to vector<16xf32>
          %mul3A_528 = arith.mulf %mul3A_527, %div3A_510 : vector<16xf32>
          %mul3A_529 = arith.mulf %mul3A_528, %add3A_525 : vector<16xf32>
          %max3A_530 = arith.constant 0.000000e+00 : f32
          %max3A_531 = vector.broadcast %max3A_530 : f32 to vector<16xf32>
          %max3A_532 = arith.maximumf %sub3A_504, %max3A_531 : vector<16xf32>
          %add3A_533 = arith.addf %mul3A_529, %max3A_532 : vector<16xf32>
          %mul3A_534 = arith.constant 1.000000e-01 : f32
          %mul3A_535 = vector.broadcast %mul3A_534 : f32 to vector<16xf32>
          %mul3A_536 = arith.mulf %mul3A_535, %get3A_496 : vector<16xf32>
          %mul3A_537 = arith.constant 0.899999976 : f32
          %mul3A_538 = vector.broadcast %mul3A_537 : f32 to vector<16xf32>
          %mul3A_539 = arith.mulf %mul3A_538, %get3A_491 : vector<16xf32>
          %add3A_540 = arith.addf %mul3A_536, %mul3A_539 : vector<16xf32>
          %eq3A_541 = arith.constant 0 : i32
          %eq3A_542 = vector.broadcast %eq3A_541 : i32 to vector<16xi32>
          %eq3A_543 = arith.cmpi eq, %get3A_501, %eq3A_542 : vector<16xi32>
          %sub3A_544 = arith.constant 1.000000e+00 : f32
          %sub3A_545 = vector.broadcast %sub3A_544 : f32 to vector<16xf32>
          %sub3A_546 = arith.subf %sub3A_545, %add3A_540 : vector<16xf32>
          %jit3A_547 = arith.constant 1.000000e+00 : f32
          %broadcast_in_dim3A_548 = vector.broadcast %jit3A_547 : f32 to vector<16xf32>
          %select_n3A_549 = arith.select %eq3A_543, %sub3A_546, %broadcast_in_dim3A_548 : vector<16xi1>, vector<16xf32>
          %sub3A_550 = arith.constant 1.000000e+00 : f32
          %sub3A_551 = vector.broadcast %sub3A_550 : f32 to vector<16xf32>
          %sub3A_552 = arith.subf %sub3A_551, %get3A_491 : vector<16xf32>
          %mul3A_553 = arith.mulf %get3A_486, %sub3A_552 : vector<16xf32>
          %mul3A_554 = arith.mulf %mul3A_553, %select_n3A_549 : vector<16xf32>
          %add3A_555 = arith.addf %add3A_533, %mul3A_554 : vector<16xf32>
          %add3A_556 = arith.addf %add3A_477, %add3A_555 : vector<16xf32>
          %scan3A_557 = arith.constant 2 : i32
          %scan3A_558 = arith.addi %scan3A_399, %scan3A_557 : i32
          %mul3A_559 = arith.constant 16 : i32
          %mul3A_560 = arith.muli %scan3A_558, %mul3A_559 : i32
          %get3A_561 = arith.index_cast %rem3A_84 : i32 to index
          %get3A_562 = arith.index_cast %scan3A_164 : i32 to index
          %get3A_563 = arith.index_cast %mul3A_560 : i32 to index
          %get3A_564 = tpu.vector_load %arg7[%get3A_561, %get3A_562, %get3A_563] {strides = array<i32>} : memref<2x8x1000xf32, #tpu.memory_space<vmem>>, vector<1x1x16xf32>,
          %get3A_565 = vector.shape_cast %get3A_564 : vector<1x1x16xf32> to vector<16xf32>
          %get3A_566 = arith.index_cast %rem3A_84 : i32 to index
          %get3A_567 = arith.index_cast %scan3A_164 : i32 to index
          %get3A_568 = arith.index_cast %mul3A_560 : i32 to index
          %get3A_569 = tpu.vector_load %arg8[%get3A_566, %get3A_567, %get3A_568] {strides = array<i32>} : memref<2x8x1000xf32, #tpu.memory_space<vmem>>, vector<1x1x16xf32>,
          %get3A_570 = vector.shape_cast %get3A_569 : vector<1x1x16xf32> to vector<16xf32>
          %get3A_571 = arith.index_cast %rem3A_84 : i32 to index
          %get3A_572 = arith.index_cast %scan3A_164 : i32 to index
          %get3A_573 = arith.index_cast %mul3A_560 : i32 to index
          %get3A_574 = tpu.vector_load %arg9[%get3A_571, %get3A_572, %get3A_573] {strides = array<i32>} : memref<2x8x1000xf32, #tpu.memory_space<vmem>>, vector<1x1x16xf32>,
          %get3A_575 = vector.shape_cast %get3A_574 : vector<1x1x16xf32> to vector<16xf32>
          %get3A_576 = arith.index_cast %rem3A_84 : i32 to index
          %get3A_577 = arith.index_cast %scan3A_164 : i32 to index
          %get3A_578 = arith.index_cast %mul3A_560 : i32 to index
          %get3A_579 = tpu.vector_load %arg10[%get3A_576, %get3A_577, %get3A_578] {strides = array<i32>} : memref<2x8x1000xi32, #tpu.memory_space<vmem>>, vector<1x1x16xi32>,
          %get3A_580 = vector.shape_cast %get3A_579 : vector<1x1x16xi32> to vector<16xi32>
          %sub3A_581 = arith.constant 0.000000e+00 : f32
          %sub3A_582 = vector.broadcast %sub3A_581 : f32 to vector<16xf32>
          %sub3A_583 = arith.subf %sub3A_582, %get3A_565 : vector<16xf32>
          %min3A_584 = arith.minimumf %get3A_565, %sub3A_583 : vector<16xf32>
          %exp3A_585 = math.exp %min3A_584 : vector<16xf32>
          %add3A_586 = arith.constant 2.000000e+00 : f32
          %add3A_587 = vector.broadcast %add3A_586 : f32 to vector<16xf32>
          %add3A_588 = arith.addf %add3A_587, %exp3A_585 : vector<16xf32>
          %div3A_589 = arith.divf %exp3A_585, %add3A_588 : vector<16xf32>
          %mul3A_590 = arith.mulf %div3A_589, %div3A_589 : vector<16xf32>
          %mul3A_591 = arith.constant 0.142857149 : f32
          %mul3A_592 = vector.broadcast %mul3A_591 : f32 to vector<16xf32>
          %mul3A_593 = arith.mulf %mul3A_590, %mul3A_592 : vector<16xf32>
          %add3A_594 = arith.constant 2.000000e-01 : f32
          %add3A_595 = vector.broadcast %add3A_594 : f32 to vector<16xf32>
          %add3A_596 = arith.addf %add3A_595, %mul3A_593 : vector<16xf32>
          %mul3A_597 = arith.mulf %mul3A_590, %add3A_596 : vector<16xf32>
          %add3A_598 = arith.constant 0.333333343 : f32
          %add3A_599 = vector.broadcast %add3A_598 : f32 to vector<16xf32>
          %add3A_600 = arith.addf %add3A_599, %mul3A_597 : vector<16xf32>
          %mul3A_601 = arith.mulf %mul3A_590, %add3A_600 : vector<16xf32>
          %add3A_602 = arith.constant 1.000000e+00 : f32
          %add3A_603 = vector.broadcast %add3A_602 : f32 to vector<16xf32>
          %add3A_604 = arith.addf %add3A_603, %mul3A_601 : vector<16xf32>
          %mul3A_605 = arith.constant 2.000000e+00 : f32
          %mul3A_606 = vector.broadcast %mul3A_605 : f32 to vector<16xf32>
          %mul3A_607 = arith.mulf %mul3A_606, %div3A_589 : vector<16xf32>
          %mul3A_608 = arith.mulf %mul3A_607, %add3A_604 : vector<16xf32>
          %max3A_609 = arith.constant 0.000000e+00 : f32
          %max3A_610 = vector.broadcast %max3A_609 : f32 to vector<16xf32>
          %max3A_611 = arith.maximumf %sub3A_583, %max3A_610 : vector<16xf32>
          %add3A_612 = arith.addf %mul3A_608, %max3A_611 : vector<16xf32>
          %mul3A_613 = arith.constant 1.000000e-01 : f32
          %mul3A_614 = vector.broadcast %mul3A_613 : f32 to vector<16xf32>
          %mul3A_615 = arith.mulf %mul3A_614, %get3A_575 : vector<16xf32>
          %mul3A_616 = arith.constant 0.899999976 : f32
          %mul3A_617 = vector.broadcast %mul3A_616 : f32 to vector<16xf32>
          %mul3A_618 = arith.mulf %mul3A_617, %get3A_570 : vector<16xf32>
          %add3A_619 = arith.addf %mul3A_615, %mul3A_618 : vector<16xf32>
          %eq3A_620 = arith.constant 0 : i32
          %eq3A_621 = vector.broadcast %eq3A_620 : i32 to vector<16xi32>
          %eq3A_622 = arith.cmpi eq, %get3A_580, %eq3A_621 : vector<16xi32>
          %sub3A_623 = arith.constant 1.000000e+00 : f32
          %sub3A_624 = vector.broadcast %sub3A_623 : f32 to vector<16xf32>
          %sub3A_625 = arith.subf %sub3A_624, %add3A_619 : vector<16xf32>
          %jit3A_626 = arith.constant 1.000000e+00 : f32
          %broadcast_in_dim3A_627 = vector.broadcast %jit3A_626 : f32 to vector<16xf32>
          %select_n3A_628 = arith.select %eq3A_622, %sub3A_625, %broadcast_in_dim3A_627 : vector<16xi1>, vector<16xf32>
          %sub3A_629 = arith.constant 1.000000e+00 : f32
          %sub3A_630 = vector.broadcast %sub3A_629 : f32 to vector<16xf32>
          %sub3A_631 = arith.subf %sub3A_630, %get3A_570 : vector<16xf32>
          %mul3A_632 = arith.mulf %get3A_565, %sub3A_631 : vector<16xf32>
          %mul3A_633 = arith.mulf %mul3A_632, %select_n3A_628 : vector<16xf32>
          %add3A_634 = arith.addf %add3A_612, %mul3A_633 : vector<16xf32>
          %add3A_635 = arith.addf %add3A_556, %add3A_634 : vector<16xf32>
          %scan3A_636 = arith.constant 3 : i32
          %scan3A_637 = arith.addi %scan3A_399, %scan3A_636 : i32
          %mul3A_638 = arith.constant 16 : i32
          %mul3A_639 = arith.muli %scan3A_637, %mul3A_638 : i32
          %get3A_640 = arith.index_cast %rem3A_84 : i32 to index
          %get3A_641 = arith.index_cast %scan3A_164 : i32 to index
          %get3A_642 = arith.index_cast %mul3A_639 : i32 to index
          %get3A_643 = tpu.vector_load %arg7[%get3A_640, %get3A_641, %get3A_642] {strides = array<i32>} : memref<2x8x1000xf32, #tpu.memory_space<vmem>>, vector<1x1x16xf32>,
          %get3A_644 = vector.shape_cast %get3A_643 : vector<1x1x16xf32> to vector<16xf32>
          %get3A_645 = arith.index_cast %rem3A_84 : i32 to index
          %get3A_646 = arith.index_cast %scan3A_164 : i32 to index
          %get3A_647 = arith.index_cast %mul3A_639 : i32 to index
          %get3A_648 = tpu.vector_load %arg8[%get3A_645, %get3A_646, %get3A_647] {strides = array<i32>} : memref<2x8x1000xf32, #tpu.memory_space<vmem>>, vector<1x1x16xf32>,
          %get3A_649 = vector.shape_cast %get3A_648 : vector<1x1x16xf32> to vector<16xf32>
          %get3A_650 = arith.index_cast %rem3A_84 : i32 to index
          %get3A_651 = arith.index_cast %scan3A_164 : i32 to index
          %get3A_652 = arith.index_cast %mul3A_639 : i32 to index
          %get3A_653 = tpu.vector_load %arg9[%get3A_650, %get3A_651, %get3A_652] {strides = array<i32>} : memref<2x8x1000xf32, #tpu.memory_space<vmem>>, vector<1x1x16xf32>,
          %get3A_654 = vector.shape_cast %get3A_653 : vector<1x1x16xf32> to vector<16xf32>
          %get3A_655 = arith.index_cast %rem3A_84 : i32 to index
          %get3A_656 = arith.index_cast %scan3A_164 : i32 to index
          %get3A_657 = arith.index_cast %mul3A_639 : i32 to index
          %get3A_658 = tpu.vector_load %arg10[%get3A_655, %get3A_656, %get3A_657] {strides = array<i32>} : memref<2x8x1000xi32, #tpu.memory_space<vmem>>, vector<1x1x16xi32>,
          %get3A_659 = vector.shape_cast %get3A_658 : vector<1x1x16xi32> to vector<16xi32>
          %sub3A_660 = arith.constant 0.000000e+00 : f32
          %sub3A_661 = vector.broadcast %sub3A_660 : f32 to vector<16xf32>
          %sub3A_662 = arith.subf %sub3A_661, %get3A_644 : vector<16xf32>
          %min3A_663 = arith.minimumf %get3A_644, %sub3A_662 : vector<16xf32>
          %exp3A_664 = math.exp %min3A_663 : vector<16xf32>
          %add3A_665 = arith.constant 2.000000e+00 : f32
          %add3A_666 = vector.broadcast %add3A_665 : f32 to vector<16xf32>
          %add3A_667 = arith.addf %add3A_666, %exp3A_664 : vector<16xf32>
          %div3A_668 = arith.divf %exp3A_664, %add3A_667 : vector<16xf32>
          %mul3A_669 = arith.mulf %div3A_668, %div3A_668 : vector<16xf32>
          %mul3A_670 = arith.constant 0.142857149 : f32
          %mul3A_671 = vector.broadcast %mul3A_670 : f32 to vector<16xf32>
          %mul3A_672 = arith.mulf %mul3A_669, %mul3A_671 : vector<16xf32>
          %add3A_673 = arith.constant 2.000000e-01 : f32
          %add3A_674 = vector.broadcast %add3A_673 : f32 to vector<16xf32>
          %add3A_675 = arith.addf %add3A_674, %mul3A_672 : vector<16xf32>
          %mul3A_676 = arith.mulf %mul3A_669, %add3A_675 : vector<16xf32>
          %add3A_677 = arith.constant 0.333333343 : f32
          %add3A_678 = vector.broadcast %add3A_677 : f32 to vector<16xf32>
          %add3A_679 = arith.addf %add3A_678, %mul3A_676 : vector<16xf32>
          %mul3A_680 = arith.mulf %mul3A_669, %add3A_679 : vector<16xf32>
          %add3A_681 = arith.constant 1.000000e+00 : f32
          %add3A_682 = vector.broadcast %add3A_681 : f32 to vector<16xf32>
          %add3A_683 = arith.addf %add3A_682, %mul3A_680 : vector<16xf32>
          %mul3A_684 = arith.constant 2.000000e+00 : f32
          %mul3A_685 = vector.broadcast %mul3A_684 : f32 to vector<16xf32>
          %mul3A_686 = arith.mulf %mul3A_685, %div3A_668 : vector<16xf32>
          %mul3A_687 = arith.mulf %mul3A_686, %add3A_683 : vector<16xf32>
          %max3A_688 = arith.constant 0.000000e+00 : f32
          %max3A_689 = vector.broadcast %max3A_688 : f32 to vector<16xf32>
          %max3A_690 = arith.maximumf %sub3A_662, %max3A_689 : vector<16xf32>
          %add3A_691 = arith.addf %mul3A_687, %max3A_690 : vector<16xf32>
          %mul3A_692 = arith.constant 1.000000e-01 : f32
          %mul3A_693 = vector.broadcast %mul3A_692 : f32 to vector<16xf32>
          %mul3A_694 = arith.mulf %mul3A_693, %get3A_654 : vector<16xf32>
          %mul3A_695 = arith.constant 0.899999976 : f32
          %mul3A_696 = vector.broadcast %mul3A_695 : f32 to vector<16xf32>
          %mul3A_697 = arith.mulf %mul3A_696, %get3A_649 : vector<16xf32>
          %add3A_698 = arith.addf %mul3A_694, %mul3A_697 : vector<16xf32>
          %eq3A_699 = arith.constant 0 : i32
          %eq3A_700 = vector.broadcast %eq3A_699 : i32 to vector<16xi32>
          %eq3A_701 = arith.cmpi eq, %get3A_659, %eq3A_700 : vector<16xi32>
          %sub3A_702 = arith.constant 1.000000e+00 : f32
          %sub3A_703 = vector.broadcast %sub3A_702 : f32 to vector<16xf32>
          %sub3A_704 = arith.subf %sub3A_703, %add3A_698 : vector<16xf32>
          %jit3A_705 = arith.constant 1.000000e+00 : f32
          %broadcast_in_dim3A_706 = vector.broadcast %jit3A_705 : f32 to vector<16xf32>
          %select_n3A_707 = arith.select %eq3A_701, %sub3A_704, %broadcast_in_dim3A_706 : vector<16xi1>, vector<16xf32>
          %sub3A_708 = arith.constant 1.000000e+00 : f32
          %sub3A_709 = vector.broadcast %sub3A_708 : f32 to vector<16xf32>
          %sub3A_710 = arith.subf %sub3A_709, %get3A_649 : vector<16xf32>
          %mul3A_711 = arith.mulf %get3A_644, %sub3A_710 : vector<16xf32>
          %mul3A_712 = arith.mulf %mul3A_711, %select_n3A_707 : vector<16xf32>
          %add3A_713 = arith.addf %add3A_691, %mul3A_712 : vector<16xf32>
          %add3A_714 = arith.addf %add3A_635, %add3A_713 : vector<16xf32>
          scf.yield %add3A_714 : vector<16xf32>
        }
        %scan3A_171 = arith.constant 60 : i32
        %scan3A_172 = arith.addi %scan3A_166, %scan3A_171 : i32
        %mul3A_173 = arith.constant 16 : i32
        %mul3A_174 = arith.muli %scan3A_172, %mul3A_173 : i32
        %get3A = arith.index_cast %rem3A_84 : i32 to index
        %get3A_175 = arith.index_cast %scan3A_164 : i32 to index
        %get3A_176 = arith.index_cast %mul3A_174 : i32 to index
        %get3A_177 = tpu.vector_load %arg7[%get3A, %get3A_175, %get3A_176] {strides = array<i32>} : memref<2x8x1000xf32, #tpu.memory_space<vmem>>, vector<1x1x16xf32>,
        %get3A_178 = vector.shape_cast %get3A_177 : vector<1x1x16xf32> to vector<16xf32>
        %get3A_179 = arith.index_cast %rem3A_84 : i32 to index
        %get3A_180 = arith.index_cast %scan3A_164 : i32 to index
        %get3A_181 = arith.index_cast %mul3A_174 : i32 to index
        %get3A_182 = tpu.vector_load %arg8[%get3A_179, %get3A_180, %get3A_181] {strides = array<i32>} : memref<2x8x1000xf32, #tpu.memory_space<vmem>>, vector<1x1x16xf32>,
        %get3A_183 = vector.shape_cast %get3A_182 : vector<1x1x16xf32> to vector<16xf32>
        %get3A_184 = arith.index_cast %rem3A_84 : i32 to index
        %get3A_185 = arith.index_cast %scan3A_164 : i32 to index
        %get3A_186 = arith.index_cast %mul3A_174 : i32 to index
        %get3A_187 = tpu.vector_load %arg9[%get3A_184, %get3A_185, %get3A_186] {strides = array<i32>} : memref<2x8x1000xf32, #tpu.memory_space<vmem>>, vector<1x1x16xf32>,
        %get3A_188 = vector.shape_cast %get3A_187 : vector<1x1x16xf32> to vector<16xf32>
        %get3A_189 = arith.index_cast %rem3A_84 : i32 to index
        %get3A_190 = arith.index_cast %scan3A_164 : i32 to index
        %get3A_191 = arith.index_cast %mul3A_174 : i32 to index
        %get3A_192 = tpu.vector_load %arg10[%get3A_189, %get3A_190, %get3A_191] {strides = array<i32>} : memref<2x8x1000xi32, #tpu.memory_space<vmem>>, vector<1x1x16xi32>,
        %get3A_193 = vector.shape_cast %get3A_192 : vector<1x1x16xi32> to vector<16xi32>
        %sub3A = arith.constant 0.000000e+00 : f32
        %sub3A_194 = vector.broadcast %sub3A : f32 to vector<16xf32>
        %sub3A_195 = arith.subf %sub3A_194, %get3A_178 : vector<16xf32>
        %min3A = arith.minimumf %get3A_178, %sub3A_195 : vector<16xf32>
        %exp3A = math.exp %min3A : vector<16xf32>
        %add3A_196 = arith.constant 2.000000e+00 : f32
        %add3A_197 = vector.broadcast %add3A_196 : f32 to vector<16xf32>
        %add3A_198 = arith.addf %add3A_197, %exp3A : vector<16xf32>
        %div3A = arith.divf %exp3A, %add3A_198 : vector<16xf32>
        %mul3A_199 = arith.mulf %div3A, %div3A : vector<16xf32>
        %mul3A_200 = arith.constant 0.142857149 : f32
        %mul3A_201 = vector.broadcast %mul3A_200 : f32 to vector<16xf32>
        %mul3A_202 = arith.mulf %mul3A_199, %mul3A_201 : vector<16xf32>
        %add3A_203 = arith.constant 2.000000e-01 : f32
        %add3A_204 = vector.broadcast %add3A_203 : f32 to vector<16xf32>
        %add3A_205 = arith.addf %add3A_204, %mul3A_202 : vector<16xf32>
        %mul3A_206 = arith.mulf %mul3A_199, %add3A_205 : vector<16xf32>
        %add3A_207 = arith.constant 0.333333343 : f32
        %add3A_208 = vector.broadcast %add3A_207 : f32 to vector<16xf32>
        %add3A_209 = arith.addf %add3A_208, %mul3A_206 : vector<16xf32>
        %mul3A_210 = arith.mulf %mul3A_199, %add3A_209 : vector<16xf32>
        %add3A_211 = arith.constant 1.000000e+00 : f32
        %add3A_212 = vector.broadcast %add3A_211 : f32 to vector<16xf32>
        %add3A_213 = arith.addf %add3A_212, %mul3A_210 : vector<16xf32>
        %mul3A_214 = arith.constant 2.000000e+00 : f32
        %mul3A_215 = vector.broadcast %mul3A_214 : f32 to vector<16xf32>
        %mul3A_216 = arith.mulf %mul3A_215, %div3A : vector<16xf32>
        %mul3A_217 = arith.mulf %mul3A_216, %add3A_213 : vector<16xf32>
        %max3A = arith.constant 0.000000e+00 : f32
        %max3A_218 = vector.broadcast %max3A : f32 to vector<16xf32>
        %max3A_219 = arith.maximumf %sub3A_195, %max3A_218 : vector<16xf32>
        %add3A_220 = arith.addf %mul3A_217, %max3A_219 : vector<16xf32>
        %mul3A_221 = arith.constant 1.000000e-01 : f32
        %mul3A_222 = vector.broadcast %mul3A_221 : f32 to vector<16xf32>
        %mul3A_223 = arith.mulf %mul3A_222, %get3A_188 : vector<16xf32>
        %mul3A_224 = arith.constant 0.899999976 : f32
        %mul3A_225 = vector.broadcast %mul3A_224 : f32 to vector<16xf32>
        %mul3A_226 = arith.mulf %mul3A_225, %get3A_183 : vector<16xf32>
        %add3A_227 = arith.addf %mul3A_223, %mul3A_226 : vector<16xf32>
        %eq3A = arith.constant 0 : i32
        %eq3A_228 = vector.broadcast %eq3A : i32 to vector<16xi32>
        %eq3A_229 = arith.cmpi eq, %get3A_193, %eq3A_228 : vector<16xi32>
        %sub3A_230 = arith.constant 1.000000e+00 : f32
        %sub3A_231 = vector.broadcast %sub3A_230 : f32 to vector<16xf32>
        %sub3A_232 = arith.subf %sub3A_231, %add3A_227 : vector<16xf32>
        %jit3A = arith.constant 1.000000e+00 : f32
        %broadcast_in_dim3A_233 = vector.broadcast %jit3A : f32 to vector<16xf32>
        %select_n3A = arith.select %eq3A_229, %sub3A_232, %broadcast_in_dim3A_233 : vector<16xi1>, vector<16xf32>
        %sub3A_234 = arith.constant 1.000000e+00 : f32
        %sub3A_235 = vector.broadcast %sub3A_234 : f32 to vector<16xf32>
        %sub3A_236 = arith.subf %sub3A_235, %get3A_183 : vector<16xf32>
        %mul3A_237 = arith.mulf %get3A_178, %sub3A_236 : vector<16xf32>
        %mul3A_238 = arith.mulf %mul3A_237, %select_n3A : vector<16xf32>
        %add3A_239 = arith.addf %add3A_220, %mul3A_238 : vector<16xf32>
        %add3A_240 = arith.addf %scan3A_170, %add3A_239 : vector<16xf32>
        %scan3A_241 = arith.constant 61 : i32
        %scan3A_242 = arith.addi %scan3A_166, %scan3A_241 : i32
        %mul3A_243 = arith.constant 16 : i32
        %mul3A_244 = arith.muli %scan3A_242, %mul3A_243 : i32
        %get3A_245 = arith.index_cast %rem3A_84 : i32 to index
        %get3A_246 = arith.index_cast %scan3A_164 : i32 to index
        %get3A_247 = arith.index_cast %mul3A_244 : i32 to index
        %get3A_248 = tpu.vector_load %arg7[%get3A_245, %get3A_246, %get3A_247] {strides = array<i32>} : memref<2x8x1000xf32, #tpu.memory_space<vmem>>, vector<1x1x16xf32>,
        %get3A_249 = vector.shape_cast %get3A_248 : vector<1x1x16xf32> to vector<16xf32>
        %get3A_250 = arith.index_cast %rem3A_84 : i32 to index
        %get3A_251 = arith.index_cast %scan3A_164 : i32 to index
        %get3A_252 = arith.index_cast %mul3A_244 : i32 to index
        %get3A_253 = tpu.vector_load %arg8[%get3A_250, %get3A_251, %get3A_252] {strides = array<i32>} : memref<2x8x1000xf32, #tpu.memory_space<vmem>>, vector<1x1x16xf32>,
        %get3A_254 = vector.shape_cast %get3A_253 : vector<1x1x16xf32> to vector<16xf32>
        %get3A_255 = arith.index_cast %rem3A_84 : i32 to index
        %get3A_256 = arith.index_cast %scan3A_164 : i32 to index
        %get3A_257 = arith.index_cast %mul3A_244 : i32 to index
        %get3A_258 = tpu.vector_load %arg9[%get3A_255, %get3A_256, %get3A_257] {strides = array<i32>} : memref<2x8x1000xf32, #tpu.memory_space<vmem>>, vector<1x1x16xf32>,
        %get3A_259 = vector.shape_cast %get3A_258 : vector<1x1x16xf32> to vector<16xf32>
        %get3A_260 = arith.index_cast %rem3A_84 : i32 to index
        %get3A_261 = arith.index_cast %scan3A_164 : i32 to index
        %get3A_262 = arith.index_cast %mul3A_244 : i32 to index
        %get3A_263 = tpu.vector_load %arg10[%get3A_260, %get3A_261, %get3A_262] {strides = array<i32>} : memref<2x8x1000xi32, #tpu.memory_space<vmem>>, vector<1x1x16xi32>,
        %get3A_264 = vector.shape_cast %get3A_263 : vector<1x1x16xi32> to vector<16xi32>
        %sub3A_265 = arith.constant 0.000000e+00 : f32
        %sub3A_266 = vector.broadcast %sub3A_265 : f32 to vector<16xf32>
        %sub3A_267 = arith.subf %sub3A_266, %get3A_249 : vector<16xf32>
        %min3A_268 = arith.minimumf %get3A_249, %sub3A_267 : vector<16xf32>
        %exp3A_269 = math.exp %min3A_268 : vector<16xf32>
        %add3A_270 = arith.constant 2.000000e+00 : f32
        %add3A_271 = vector.broadcast %add3A_270 : f32 to vector<16xf32>
        %add3A_272 = arith.addf %add3A_271, %exp3A_269 : vector<16xf32>
        %div3A_273 = arith.divf %exp3A_269, %add3A_272 : vector<16xf32>
        %mul3A_274 = arith.mulf %div3A_273, %div3A_273 : vector<16xf32>
        %mul3A_275 = arith.constant 0.142857149 : f32
        %mul3A_276 = vector.broadcast %mul3A_275 : f32 to vector<16xf32>
        %mul3A_277 = arith.mulf %mul3A_274, %mul3A_276 : vector<16xf32>
        %add3A_278 = arith.constant 2.000000e-01 : f32
        %add3A_279 = vector.broadcast %add3A_278 : f32 to vector<16xf32>
        %add3A_280 = arith.addf %add3A_279, %mul3A_277 : vector<16xf32>
        %mul3A_281 = arith.mulf %mul3A_274, %add3A_280 : vector<16xf32>
        %add3A_282 = arith.constant 0.333333343 : f32
        %add3A_283 = vector.broadcast %add3A_282 : f32 to vector<16xf32>
        %add3A_284 = arith.addf %add3A_283, %mul3A_281 : vector<16xf32>
        %mul3A_285 = arith.mulf %mul3A_274, %add3A_284 : vector<16xf32>
        %add3A_286 = arith.constant 1.000000e+00 : f32
        %add3A_287 = vector.broadcast %add3A_286 : f32 to vector<16xf32>
        %add3A_288 = arith.addf %add3A_287, %mul3A_285 : vector<16xf32>
        %mul3A_289 = arith.constant 2.000000e+00 : f32
        %mul3A_290 = vector.broadcast %mul3A_289 : f32 to vector<16xf32>
        %mul3A_291 = arith.mulf %mul3A_290, %div3A_273 : vector<16xf32>
        %mul3A_292 = arith.mulf %mul3A_291, %add3A_288 : vector<16xf32>
        %max3A_293 = arith.constant 0.000000e+00 : f32
        %max3A_294 = vector.broadcast %max3A_293 : f32 to vector<16xf32>
        %max3A_295 = arith.maximumf %sub3A_267, %max3A_294 : vector<16xf32>
        %add3A_296 = arith.addf %mul3A_292, %max3A_295 : vector<16xf32>
        %mul3A_297 = arith.constant 1.000000e-01 : f32
        %mul3A_298 = vector.broadcast %mul3A_297 : f32 to vector<16xf32>
        %mul3A_299 = arith.mulf %mul3A_298, %get3A_259 : vector<16xf32>
        %mul3A_300 = arith.constant 0.899999976 : f32
        %mul3A_301 = vector.broadcast %mul3A_300 : f32 to vector<16xf32>
        %mul3A_302 = arith.mulf %mul3A_301, %get3A_254 : vector<16xf32>
        %add3A_303 = arith.addf %mul3A_299, %mul3A_302 : vector<16xf32>
        %eq3A_304 = arith.constant 0 : i32
        %eq3A_305 = vector.broadcast %eq3A_304 : i32 to vector<16xi32>
        %eq3A_306 = arith.cmpi eq, %get3A_264, %eq3A_305 : vector<16xi32>
        %sub3A_307 = arith.constant 1.000000e+00 : f32
        %sub3A_308 = vector.broadcast %sub3A_307 : f32 to vector<16xf32>
        %sub3A_309 = arith.subf %sub3A_308, %add3A_303 : vector<16xf32>
        %jit3A_310 = arith.constant 1.000000e+00 : f32
        %broadcast_in_dim3A_311 = vector.broadcast %jit3A_310 : f32 to vector<16xf32>
        %select_n3A_312 = arith.select %eq3A_306, %sub3A_309, %broadcast_in_dim3A_311 : vector<16xi1>, vector<16xf32>
        %sub3A_313 = arith.constant 1.000000e+00 : f32
        %sub3A_314 = vector.broadcast %sub3A_313 : f32 to vector<16xf32>
        %sub3A_315 = arith.subf %sub3A_314, %get3A_254 : vector<16xf32>
        %mul3A_316 = arith.mulf %get3A_249, %sub3A_315 : vector<16xf32>
        %mul3A_317 = arith.mulf %mul3A_316, %select_n3A_312 : vector<16xf32>
        %add3A_318 = arith.addf %add3A_296, %mul3A_317 : vector<16xf32>
        %add3A_319 = arith.addf %add3A_240, %add3A_318 : vector<16xf32>
        %scan3A_320 = arith.constant 62 : i32
        %get3A_321 = arith.index_cast %rem3A_84 : i32 to index
        %get3A_322 = arith.index_cast %scan3A_164 : i32 to index
        %get3A_323 = arith.constant 984 : index
        %get3A_324 = tpu.vector_load %arg7[%get3A_321, %get3A_322, %get3A_323] {strides = array<i32>} : memref<2x8x1000xf32, #tpu.memory_space<vmem>>, vector<1x1x16xf32>,
        %get3A_325 = vector.shape_cast %get3A_324 : vector<1x1x16xf32> to vector<16xf32>
        %get3A_326 = arith.index_cast %rem3A_84 : i32 to index
        %get3A_327 = arith.index_cast %scan3A_164 : i32 to index
        %get3A_328 = arith.constant 984 : index
        %get3A_329 = tpu.vector_load %arg8[%get3A_326, %get3A_327, %get3A_328] {strides = array<i32>} : memref<2x8x1000xf32, #tpu.memory_space<vmem>>, vector<1x1x16xf32>,
        %get3A_330 = vector.shape_cast %get3A_329 : vector<1x1x16xf32> to vector<16xf32>
        %get3A_331 = arith.index_cast %rem3A_84 : i32 to index
        %get3A_332 = arith.index_cast %scan3A_164 : i32 to index
        %get3A_333 = arith.constant 984 : index
        %get3A_334 = tpu.vector_load %arg9[%get3A_331, %get3A_332, %get3A_333] {strides = array<i32>} : memref<2x8x1000xf32, #tpu.memory_space<vmem>>, vector<1x1x16xf32>,
        %get3A_335 = vector.shape_cast %get3A_334 : vector<1x1x16xf32> to vector<16xf32>
        %get3A_336 = arith.index_cast %rem3A_84 : i32 to index
        %get3A_337 = arith.index_cast %scan3A_164 : i32 to index
        %get3A_338 = arith.constant 984 : index
        %get3A_339 = tpu.vector_load %arg10[%get3A_336, %get3A_337, %get3A_338] {strides = array<i32>} : memref<2x8x1000xi32, #tpu.memory_space<vmem>>, vector<1x1x16xi32>,
        %get3A_340 = vector.shape_cast %get3A_339 : vector<1x1x16xi32> to vector<16xi32>
        %sub3A_341 = arith.constant 0.000000e+00 : f32
        %sub3A_342 = vector.broadcast %sub3A_341 : f32 to vector<16xf32>
        %sub3A_343 = arith.subf %sub3A_342, %get3A_325 : vector<16xf32>
        %min3A_344 = arith.minimumf %get3A_325, %sub3A_343 : vector<16xf32>
        %exp3A_345 = math.exp %min3A_344 : vector<16xf32>
        %add3A_346 = arith.constant 2.000000e+00 : f32
        %add3A_347 = vector.broadcast %add3A_346 : f32 to vector<16xf32>
        %add3A_348 = arith.addf %add3A_347, %exp3A_345 : vector<16xf32>
        %div3A_349 = arith.divf %exp3A_345, %add3A_348 : vector<16xf32>
        %mul3A_350 = arith.mulf %div3A_349, %div3A_349 : vector<16xf32>
        %mul3A_351 = arith.constant 0.142857149 : f32
        %mul3A_352 = vector.broadcast %mul3A_351 : f32 to vector<16xf32>
        %mul3A_353 = arith.mulf %mul3A_350, %mul3A_352 : vector<16xf32>
        %add3A_354 = arith.constant 2.000000e-01 : f32
        %add3A_355 = vector.broadcast %add3A_354 : f32 to vector<16xf32>
        %add3A_356 = arith.addf %add3A_355, %mul3A_353 : vector<16xf32>
        %mul3A_357 = arith.mulf %mul3A_350, %add3A_356 : vector<16xf32>
        %add3A_358 = arith.constant 0.333333343 : f32
        %add3A_359 = vector.broadcast %add3A_358 : f32 to vector<16xf32>
        %add3A_360 = arith.addf %add3A_359, %mul3A_357 : vector<16xf32>
        %mul3A_361 = arith.mulf %mul3A_350, %add3A_360 : vector<16xf32>
        %add3A_362 = arith.constant 1.000000e+00 : f32
        %add3A_363 = vector.broadcast %add3A_362 : f32 to vector<16xf32>
        %add3A_364 = arith.addf %add3A_363, %mul3A_361 : vector<16xf32>
        %mul3A_365 = arith.constant 2.000000e+00 : f32
        %mul3A_366 = vector.broadcast %mul3A_365 : f32 to vector<16xf32>
        %mul3A_367 = arith.mulf %mul3A_366, %div3A_349 : vector<16xf32>
        %mul3A_368 = arith.mulf %mul3A_367, %add3A_364 : vector<16xf32>
        %max3A_369 = arith.constant 0.000000e+00 : f32
        %max3A_370 = vector.broadcast %max3A_369 : f32 to vector<16xf32>
        %max3A_371 = arith.maximumf %sub3A_343, %max3A_370 : vector<16xf32>
        %add3A_372 = arith.addf %mul3A_368, %max3A_371 : vector<16xf32>
        %mul3A_373 = arith.constant 1.000000e-01 : f32
        %mul3A_374 = vector.broadcast %mul3A_373 : f32 to vector<16xf32>
        %mul3A_375 = arith.mulf %mul3A_374, %get3A_335 : vector<16xf32>
        %mul3A_376 = arith.constant 0.899999976 : f32
        %mul3A_377 = vector.broadcast %mul3A_376 : f32 to vector<16xf32>
        %mul3A_378 = arith.mulf %mul3A_377, %get3A_330 : vector<16xf32>
        %add3A_379 = arith.addf %mul3A_375, %mul3A_378 : vector<16xf32>
        %eq3A_380 = arith.constant 0 : i32
        %eq3A_381 = vector.broadcast %eq3A_380 : i32 to vector<16xi32>
        %eq3A_382 = arith.cmpi eq, %get3A_340, %eq3A_381 : vector<16xi32>
        %sub3A_383 = arith.constant 1.000000e+00 : f32
        %sub3A_384 = vector.broadcast %sub3A_383 : f32 to vector<16xf32>
        %sub3A_385 = arith.subf %sub3A_384, %add3A_379 : vector<16xf32>
        %jit3A_386 = arith.constant 1.000000e+00 : f32
        %broadcast_in_dim3A_387 = vector.broadcast %jit3A_386 : f32 to vector<16xf32>
        %select_n3A_388 = arith.select %eq3A_382, %sub3A_385, %broadcast_in_dim3A_387 : vector<16xi1>, vector<16xf32>
        %sub3A_389 = arith.constant 1.000000e+00 : f32
        %sub3A_390 = vector.broadcast %sub3A_389 : f32 to vector<16xf32>
        %sub3A_391 = arith.subf %sub3A_390, %get3A_330 : vector<16xf32>
        %mul3A_392 = arith.mulf %get3A_325, %sub3A_391 : vector<16xf32>
        %mul3A_393 = arith.mulf %mul3A_392, %select_n3A_388 : vector<16xf32>
        %add3A_394 = arith.addf %add3A_372, %mul3A_393 : vector<16xf32>
        %jit3A_395 = arith.constant 0.000000e+00 : f32
        %broadcast_in_dim3A_396 = vector.broadcast %jit3A_395 : f32 to vector<16xf32>
        %select_n3A_397 = arith.select %ge3A_71, %add3A_394, %broadcast_in_dim3A_396 : vector<16xi1>, vector<16xf32>
        %add3A_398 = arith.addf %add3A_319, %select_n3A_397 : vector<16xf32>
        scf.yield %add3A_398 : vector<16xf32>
      }
      %scan3A_163 = arith.constant 8 : i32
      scf.yield %scan3A_162 : vector<16xf32>
    }
    %scan3A_77 = arith.constant 6 : i32
    %swap3A = arith.constant 0 : index
    %swap3A_78 = tpu.vector_load %arg11[%swap3A] {strides = array<i32>} : memref<16xf32, #tpu.memory_space<vmem>>, vector<16xf32>,
    %swap3A_79 = vector.shape_cast %swap3A_78 : vector<16xf32> to vector<16xf32>
    %swap3A_80 = vector.shape_cast %scan3A_76 : vector<16xf32> to vector<16xf32>
    tpu.vector_store %arg11[%swap3A], %swap3A_80 {strides = array<i32>} : memref<16xf32, #tpu.memory_space<vmem>>, vector<16xf32>,
    "tpu.region"() ({
      %run_scoped3A = tpu.sem_alloc : memref<!tpu.dma_semaphore, #tpu.memory_space<semaphore_mem>>
      %dma_start3A_81 = arith.constant 0 : i32
      %dma_start3A_82 = tpu.memref_slice %arg6[%add3A, %dma_start3A_81] : memref<32x16xf32, #tpu.memory_space<hbm>> -> memref<1x16xf32, #tpu.memory_space<hbm>>
      %dma_start3A_83 = tpu.memref_squeeze %dma_start3A_82 : memref<1x16xf32, #tpu.memory_space<hbm>> -> memref<16xf32, #tpu.memory_space<hbm>>
      %dma_start3A_84 = arith.constant 0 : i32
      %dma_start3A_85 = tpu.memref_slice %arg6[%add3A, %dma_start3A_84] : memref<32x16xf32, #tpu.memory_space<hbm>> -> memref<1x16xf32, #tpu.memory_space<hbm>>
      %dma_start3A_86 = tpu.memref_squeeze %dma_start3A_85 : memref<1x16xf32, #tpu.memory_space<hbm>> -> memref<16xf32, #tpu.memory_space<hbm>>
      tpu.enqueue_dma source(%arg11 : memref<16xf32, #tpu.memory_space<vmem>>) target(%dma_start3A_86 : memref<16xf32, #tpu.memory_space<hbm>>) target_semaphore(%run_scoped3A : memref<!tpu.dma_semaphore, #tpu.memory_space<semaphore_mem>>)
      %dma_wait3A = arith.constant 0 : i32
      %dma_wait3A_87 = tpu.memref_slice %arg6[%add3A, %dma_wait3A] : memref<32x16xf32, #tpu.memory_space<hbm>> -> memref<1x16xf32, #tpu.memory_space<hbm>>
      %dma_wait3A_88 = tpu.memref_squeeze %dma_wait3A_87 : memref<1x16xf32, #tpu.memory_space<hbm>> -> memref<16xf32, #tpu.memory_space<hbm>>
      %dma_wait3A_89 = arith.constant 0 : i32
      %dma_wait3A_90 = tpu.memref_slice %arg6[%add3A, %dma_wait3A_89] : memref<32x16xf32, #tpu.memory_space<hbm>> -> memref<1x16xf32, #tpu.memory_space<hbm>>
      %dma_wait3A_91 = tpu.memref_squeeze %dma_wait3A_90 : memref<1x16xf32, #tpu.memory_space<hbm>> -> memref<16xf32, #tpu.memory_space<hbm>>
      tpu.wait_dma2 semaphore(%run_scoped3A : memref<!tpu.dma_semaphore, #tpu.memory_space<semaphore_mem>>) src(%arg11 : memref<16xf32, #tpu.memory_space<vmem>>) dst(%dma_wait3A_91 : memref<16xf32, #tpu.memory_space<hbm>>)
      tpu.yield
    }) : () -> ()
    return
  }
}

module attributes {stable_mosaic.version = 14 : i64} {
  func.func @_tc_body(%arg0: i32, %arg1: memref<256x1000xf32, #tpu.memory_space<vmem>>, %arg2: memref<256x1000xf32, #tpu.memory_space<vmem>>, %arg3: memref<256x1000xf32, #tpu.memory_space<vmem>>, %arg4: memref<256x1000xi32, #tpu.memory_space<vmem>>, %arg5: memref<1x1xf32, #tpu.memory_space<smem>>) attributes {dimension_semantics = [#tpu.dimension_semantics<arbitrary>], iteration_bounds = array<i64: 10>, scalar_prefetch = 0 : i64, scratch_operands = 0 : i64, tpu.core_type = #tpu.core_type<tc>, window_params = [{transform_indices = @transform_0, window_bounds = array<i64: 256, 1000>}, {transform_indices = @transform_1, window_bounds = array<i64: 256, 1000>}, {transform_indices = @transform_2, window_bounds = array<i64: 256, 1000>}, {transform_indices = @transform_3, window_bounds = array<i64: 256, 1000>}, {transform_indices = @transform_4, window_bounds = array<i64: 1, 1>}]} {
    %broadcast_in_dim3A = arith.constant 0.000000e+00 : f32
    %broadcast_in_dim3A_0 = vector.broadcast %broadcast_in_dim3A : f32 to vector<8x1000xf32>
    %scan3A = arith.constant 0 : i32
    %scan3A_1 = arith.constant 32 : i32
    %scan3A_2 = arith.addi %scan3A, %scan3A_1 : i32
    %scan3A_3 = arith.constant 1 : i32
    %scan3A_4 = scf.for %scan3A_16 = %scan3A to %scan3A_2 step %scan3A_3 iter_args(%scan3A_17 = %broadcast_in_dim3A_0) -> (vector<8x1000xf32>)  : i32 {
      %mul3A = arith.constant 8 : i32
      %mul3A_18 = arith.muli %scan3A_16, %mul3A : i32
      %get3A = arith.index_cast %mul3A_18 : i32 to index
      %get3A_19 = arith.constant 0 : index
      %get3A_20 = vector.load %arg1[%get3A, %get3A_19] : memref<256x1000xf32, #tpu.memory_space<vmem>>, vector<8x1000xf32>
      %get3A_21 = arith.index_cast %mul3A_18 : i32 to index
      %get3A_22 = arith.constant 0 : index
      %get3A_23 = vector.load %arg2[%get3A_21, %get3A_22] : memref<256x1000xf32, #tpu.memory_space<vmem>>, vector<8x1000xf32>
      %get3A_24 = arith.index_cast %mul3A_18 : i32 to index
      %get3A_25 = arith.constant 0 : index
      %get3A_26 = vector.load %arg3[%get3A_24, %get3A_25] : memref<256x1000xf32, #tpu.memory_space<vmem>>, vector<8x1000xf32>
      %get3A_27 = arith.index_cast %mul3A_18 : i32 to index
      %get3A_28 = arith.constant 0 : index
      %get3A_29 = vector.load %arg4[%get3A_27, %get3A_28] : memref<256x1000xi32, #tpu.memory_space<vmem>>, vector<8x1000xi32>
      %abs3A = math.absf %get3A_20 : vector<8x1000xf32>
      %neg3A = arith.constant 0.000000e+00 : f32
      %neg3A_30 = vector.broadcast %neg3A : f32 to vector<8x1000xf32>
      %neg3A_31 = arith.subf %neg3A_30, %abs3A : vector<8x1000xf32>
      %exp3A = math.exp %neg3A_31 : vector<8x1000xf32>
      %log1p3A = math.log1p %exp3A : vector<8x1000xf32>
      %neg3A_32 = arith.constant 0.000000e+00 : f32
      %neg3A_33 = vector.broadcast %neg3A_32 : f32 to vector<8x1000xf32>
      %neg3A_34 = arith.subf %neg3A_33, %get3A_20 : vector<8x1000xf32>
      %max3A = arith.constant 0.000000e+00 : f32
      %max3A_35 = vector.broadcast %max3A : f32 to vector<8x1000xf32>
      %max3A_36 = arith.maximumf %neg3A_34, %max3A_35 : vector<8x1000xf32>
      %add3A = arith.addf %log1p3A, %max3A_36 : vector<8x1000xf32>
      %mul3A_37 = arith.constant 1.000000e-01 : f32
      %mul3A_38 = vector.broadcast %mul3A_37 : f32 to vector<8x1000xf32>
      %mul3A_39 = arith.mulf %mul3A_38, %get3A_26 : vector<8x1000xf32>
      %mul3A_40 = arith.constant 0.899999976 : f32
      %mul3A_41 = vector.broadcast %mul3A_40 : f32 to vector<8x1000xf32>
      %mul3A_42 = arith.mulf %mul3A_41, %get3A_23 : vector<8x1000xf32>
      %add3A_43 = arith.addf %mul3A_39, %mul3A_42 : vector<8x1000xf32>
      %eq3A_44 = arith.constant 0 : i32
      %eq3A_45 = vector.broadcast %eq3A_44 : i32 to vector<8x1000xi32>
      %eq3A_46 = arith.cmpi eq, %get3A_29, %eq3A_45 : vector<8x1000xi32>
      %sub3A = arith.constant 1.000000e+00 : f32
      %sub3A_47 = vector.broadcast %sub3A : f32 to vector<8x1000xf32>
      %sub3A_48 = arith.subf %sub3A_47, %add3A_43 : vector<8x1000xf32>
      %jit3A = arith.constant 1.000000e+00 : f32
      %broadcast_in_dim3A_49 = vector.broadcast %jit3A : f32 to vector<8x1000xf32>
      %select_n3A = arith.select %eq3A_46, %sub3A_48, %broadcast_in_dim3A_49 : vector<8x1000xi1>, vector<8x1000xf32>
      %sub3A_50 = arith.constant 1.000000e+00 : f32
      %sub3A_51 = vector.broadcast %sub3A_50 : f32 to vector<8x1000xf32>
      %sub3A_52 = arith.subf %sub3A_51, %get3A_23 : vector<8x1000xf32>
      %mul3A_53 = arith.mulf %get3A_20, %sub3A_52 : vector<8x1000xf32>
      %mul3A_54 = arith.mulf %mul3A_53, %select_n3A : vector<8x1000xf32>
      %add3A_55 = arith.addf %add3A, %mul3A_54 : vector<8x1000xf32>
      %add3A_56 = arith.addf %scan3A_17, %add3A_55 : vector<8x1000xf32>
      scf.yield %add3A_56 : vector<8x1000xf32>
    }
    %scan3A_5 = arith.constant 32 : i32
    %reduce_sum3A = vector.shape_cast %scan3A_4 : vector<8x1000xf32> to vector<1x8x1000xf32>
    %reduce_sum3A_6 = arith.constant dense<0.000000e+00> : vector<1xf32>
    %reduce_sum3A_7 = vector.multi_reduction <add>, %reduce_sum3A, %reduce_sum3A_6 [1, 2] : vector<1x8x1000xf32> to vector<1xf32>
    %reduce_sum3A_8 = vector.shape_cast %reduce_sum3A_7 : vector<1xf32> to vector<1x1x1xf32>
    %reduce_sum3A_9 = vector.extract %reduce_sum3A_8[0, 0, 0] : f32 from vector<1x1x1xf32>
    %eq3A = arith.constant 0 : i32
    %eq3A_10 = arith.cmpi eq, %arg0, %eq3A : i32
    %convert_element_type3A = arith.extui %eq3A_10 : i1 to i32
    %cond3A = arith.constant 0 : i32
    %cond3A_11 = arith.cmpi ne, %convert_element_type3A, %cond3A : i32
    scf.if %cond3A_11 {
      %swap3A = arith.constant 0 : index
      %swap3A_16 = arith.constant 0 : index
      %swap3A_17 = memref.load %arg5[%swap3A, %swap3A_16] : memref<1x1xf32, #tpu.memory_space<smem>>
      memref.store %reduce_sum3A_9, %arg5[%swap3A, %swap3A_16] : memref<1x1xf32, #tpu.memory_space<smem>>
    } else {
    }
    %ne3A = arith.constant 0 : i32
    %ne3A_12 = arith.cmpi ne, %arg0, %ne3A : i32
    %convert_element_type3A_13 = arith.extui %ne3A_12 : i1 to i32
    %cond3A_14 = arith.constant 0 : i32
    %cond3A_15 = arith.cmpi ne, %convert_element_type3A_13, %cond3A_14 : i32
    scf.if %cond3A_15 {
      %get3A = arith.constant 0 : index
      %get3A_16 = arith.constant 0 : index
      %get3A_17 = memref.load %arg5[%get3A, %get3A_16] : memref<1x1xf32, #tpu.memory_space<smem>>
      %add3A = arith.addf %get3A_17, %reduce_sum3A_9 : f32
      %swap3A = arith.constant 0 : index
      %swap3A_18 = arith.constant 0 : index
      %swap3A_19 = memref.load %arg5[%swap3A, %swap3A_18] : memref<1x1xf32, #tpu.memory_space<smem>>
      memref.store %add3A, %arg5[%swap3A, %swap3A_18] : memref<1x1xf32, #tpu.memory_space<smem>>
    } else {
    }
    return
  }
  func.func @transform_0(%arg0: i32) -> (i32, i32) {
    %c0_i32 = arith.constant 0 : i32
    %c0_i32_0 = arith.constant 0 : i32
    return %arg0, %c0_i32 : i32, i32
  }
  func.func @transform_1(%arg0: i32) -> (i32, i32) {
    %c0_i32 = arith.constant 0 : i32
    %c0_i32_0 = arith.constant 0 : i32
    return %arg0, %c0_i32 : i32, i32
  }
  func.func @transform_2(%arg0: i32) -> (i32, i32) {
    %c0_i32 = arith.constant 0 : i32
    %c0_i32_0 = arith.constant 0 : i32
    return %arg0, %c0_i32 : i32, i32
  }
  func.func @transform_3(%arg0: i32) -> (i32, i32) {
    %c0_i32 = arith.constant 0 : i32
    %c0_i32_0 = arith.constant 0 : i32
    return %arg0, %c0_i32 : i32, i32
  }
  func.func @transform_4(%arg0: i32) -> (i32, i32) {
    %c0_i32 = arith.constant 0 : i32
    %c0_i32_0 = arith.constant 0 : i32
    %c0_i32_1 = arith.constant 0 : i32
    return %c0_i32, %c0_i32_0 : i32, i32
  }
}

</mosaic_0001>

<sc_bundles>
// kernel: kernel.4.cloned.1.call-start
scs
__scs_entry_jumppad:
0x0: {  	(pc) =	sbr.rel $0x88, $3  }
0x1: {  	(tag) =	ssettag $0x0;
	lr =	simm.s32 $0x1  }
0x2: {  	[smem:$0x3F9D] =	sst lr;
	_ =	strace $0xD0000000  }
0x3: {  	_ = 	snop  }
0x4: {  	_ = 	snop  }
0x5: {  	_ = 	snop  }
0x6: {  	_ = 	snop  }
0x7: {  	_ = 	snop  }
__scs_overlays_trampoline_lowered:
0x8: {  	[smem:$0x3FAC] =	sst s0  }
0x9: {  	[smem:$0x3FAD] =	sst s1  }
0xa: {  	[smem:$0x3FAE] =	sst s2  }
0xb: {  	[smem:$0x3FAF] =	sst s3  }
0xc: {  	[smem:$0x3FB0] =	sst s4  }
0xd: {  	[smem:$0x3FB1] =	sst s5  }
0xe: {  	[smem:$0x3FB2] =	sst s6  }
0xf: {  	[smem:$0x3FB3] =	sst s7  }
0x10: {  	[smem:$0x3FB4] =	sst s8  }
0x11: {  	[smem:$0x3FB5] =	sst s9;
	s0 =	simm.s32 @!p0 $0x0  }
0x12: {  	s1 =	sld [smem:$0x3F9B];
	s0 =	simm.s32 @p0 $0x1  }
0x13: {  	[smem:$0x3FB6] =	sst s0;
	s0 =	simm.s32 @!p1 $0x0  }
0x14: {  	s2 =	sld [smem:$0x3F9A];
	s0 =	simm.s32 @p1 $0x1  }
0x15: {  	[smem:$0x3FB7] =	sst s0;
	s0 =	simm.s32 @!p2 $0x0  }
0x16: {  	s3 =	sld [smem:$0x3FDB];
	s0 =	simm.s32 @p2 $0x1  }
0x17: {  	s4 =	simm.s32 $0x1BF5;
	[smem:$0x3FB9] =	sst s0  }
0x18: {  	s0 =	sld [smem:$0x3F9C];
	_ =	swait.ge [sflag:s4], $0x0  }
0x19: {  	s7 =	sld [smem:$0x3F9D]  }
0x1a: {  	s8 =	sadd.s32 $0xFFFFE003, lr  }
0x1b: {  	s9 =	sadd.s32 $0xFFFFFEF7, lr;
	s5 =	simm.s32 $0xFFFFFFFF;
	p2 =	slt.u32 s8, $0xFFFFF086  }
0x1c: {  	p1 =	slt.u32 s9, $0xF7A;
	s5 =	simm.s32 @!p2 $0x0  }
0x1d: {  	s5 =	simm.s32 @p1 $0x1;
	p0 =	seq.s32 s7, s2  }
0x1e: {  	s7 =	smul.u32 @!p0 $0xF7A, s2;
	p2 =	seq.s32 @!p0 s5, $0x0  }
0x1f: {  	s9 =	smul.u32 $0xF7A, s1;
	s8 =	simm.s32 @!p0 $0x1BF5;
	p2 =	por !p2, p0  }
0x20: {  	[sflag:s8] =	ssyncset.s32 @!p0 $0xFFFFF086;
	s6 =	sadd.s32 @!p0 s3, s7;
	s7 =	simm.s32 @!p0 $0x108  }
0x21: {  	s3 =	sadd.s32 s3, s9;
	s6 =	sadd.s32 @!p0 $0x88, s6;
	s7 =	simm.s32 @p2 $0x1082  }
0x22: {  	[simem:s7], [sflag:s8] =	dma.local @!p0 [hbm:s6], $0xF7A  }
0x23: {  	s9 =	sor.u32 $0xD0000000, s2;
	s6 =	simm.s32 $0x108;
	_ =	swait.ge @!p0 [sflag:s8], $0x0  }
0x24: {  	s3 =	sadd.s32 $0x88, s3;
	s6 =	simm.s32 @!p1 $0x1082;
	[sflag:s4] =	ssyncset.s32 $0xFFFFF086  }
0x25: {  	[simem:s6], [sflag:s4] =	dma.local [hbm:s3], $0xF7A  }
0x26: {  	[smem:$0x3F9D] =	sst s1;
	(tag) =	ssettag s2;
	_ =	strace s9  }
0x27: {  	s1 =	sld [smem:$0x3FAD]  }
0x28: {  	s2 =	sld [smem:$0x3FAE]  }
0x29: {  	s4 =	sld [smem:$0x3FB0]  }
0x2a: {  	p0 =	seq.s32 s5, $0x0;
	s5 =	sld [smem:$0x3FB1]  }
0x2b: {  	s6 =	sld [smem:$0x3FB2]  }
0x2c: {  	s7 =	sld [smem:$0x3FB3]  }
0x2d: {  	s3 =	simm.s32 $0x108;
	s8 =	sld [smem:$0x3FB4]  }
0x2e: {  	s3 =	simm.s32 @!p0 $0x1082;
	s9 =	sld [smem:$0x3FB5]  }
0x2f: {  	lr =	sadd.s32 s0, s3;
	s0 =	sld [smem:$0x3FAC]  }
0x30: {  	s3 =	sld [smem:$0x3FAF]  }
0x31: {  	[smem:$0x3FB8] =	sst s10  }
0x32: {  	s10 =	sld [smem:$0x3FB6];
	_ =	sdelay $0x3  }
0x33: {  	p0 =	seq.s32 s10, $0x1;
	s10 =	sld [smem:$0x3FB8];
	_ =	sdelay $0x3  }
0x34: {  	[smem:$0x3FB8] =	sst s10  }
0x35: {  	s10 =	sld [smem:$0x3FB7];
	_ =	sdelay $0x3  }
0x36: {  	p1 =	seq.s32 s10, $0x1;
	s10 =	sld [smem:$0x3FB8];
	_ =	sdelay $0x3  }
0x37: {  	[smem:$0x3FB8] =	sst s10  }
0x38: {  	s10 =	sld [smem:$0x3FB9]  }
0x39: {  	_ = 	snop;
	(pc) =	sbr.ind lr, $3  }
0x3a: {  	_ = 	snop  }
0x3b: {  	_ = 	snop  }
0x3c: {  	p2 =	seq.s32 s10, $0x1;
	s10 =	sld [smem:$0x3FB8]  }
0x3d: {  	_ =	shalt  }
0x3e: {  	_ =	shalt  }
0x3f: {  	_ =	shalt  }
0x40: {  	_ =	shalt  }
0x41: {  	_ =	shalt  }
0x42: {  	_ =	shalt  }
0x43: {  	_ =	shalt  }
0x44: {  	_ =	shalt  }
0x45: {  	_ =	shalt  }
0x46: {  	_ =	shalt  }
0x47: {  	_ =	shalt  }
0x48: {  	_ =	shalt  }
0x49: {  	_ =	shalt  }
0x4a: {  	_ =	shalt  }
0x4b: {  	_ =	shalt  }
0x4c: {  	_ =	shalt  }
0x4d: {  	_ =	shalt  }
0x4e: {  	_ =	shalt  }
0x4f: {  	_ =	shalt  }
0x50: {  	_ =	shalt  }
0x51: {  	_ =	shalt  }
0x52: {  	_ =	shalt  }
0x53: {  	_ =	shalt  }
0x54: {  	_ =	shalt  }
0x55: {  	_ =	shalt  }
0x56: {  	_ =	shalt  }
0x57: {  	_ =	shalt  }
0x58: {  	_ =	shalt  }
0x59: {  	_ =	shalt  }
0x5a: {  	_ =	shalt  }
0x5b: {  	_ =	shalt  }
0x5c: {  	_ =	shalt  }
0x5d: {  	_ =	shalt  }
0x5e: {  	_ =	shalt  }
0x5f: {  	_ =	shalt  }
0x60: {  	_ =	shalt  }
0x61: {  	_ =	shalt  }
0x62: {  	_ =	shalt  }
0x63: {  	_ =	shalt  }
0x64: {  	_ =	shalt  }
0x65: {  	_ =	shalt  }
0x66: {  	_ =	shalt  }
0x67: {  	_ =	shalt  }
0x68: {  	_ =	shalt  }
0x69: {  	_ =	shalt  }
0x6a: {  	_ =	shalt  }
0x6b: {  	_ =	shalt  }
0x6c: {  	_ =	shalt  }
0x6d: {  	_ =	shalt  }
0x6e: {  	_ =	shalt  }
0x6f: {  	_ =	shalt  }
0x70: {  	_ =	shalt  }
0x71: {  	_ =	shalt  }
0x72: {  	_ =	shalt  }
0x73: {  	_ =	shalt  }
0x74: {  	_ =	shalt  }
0x75: {  	_ =	shalt  }
0x76: {  	_ =	shalt  }
0x77: {  	_ =	shalt  }
0x78: {  	_ =	shalt  }
0x79: {  	_ =	shalt  }
0x7a: {  	_ =	shalt  }
0x7b: {  	_ =	shalt  }
0x7c: {  	_ =	shalt  }
0x7d: {  	_ =	shalt  }
0x7e: {  	_ =	shalt  }
0x7f: {  	_ =	shalt  }
0x80: {  	_ =	shalt  }
0x81: {  	_ =	shalt  }
0x82: {  	_ =	shalt  }
0x83: {  	_ =	shalt  }
0x84: {  	_ =	shalt  }
0x85: {  	_ =	shalt  }
0x86: {  	_ =	shalt  }
0x87: {  	_ =	shalt  }
.Lfunc_end0:
.L_simem_size_0:
called_computation_lowered:
.L_overlay_start_0:
0x88: {  	s2 =	sld [smem:$0x3FD9]  }
0x89: {  	s3 =	sld [smem:$0x3FFE];
	_ =	sdelay $0x1  }
0x8a: {  	s1 =	srdreg.scid  }
0x8b: {  	s0 =	sand.u32 $0x1, s1  }
0x8c: {  	s16 =	sshll.u32 s0, $0xA;
	s2 =	sadd.s32 s3, s2  }
0x8d: {  	s2 =	sadd.s32 s2, s16  }
0x8e: {  	[smem:$0x3FC4] =	sst s2  }
0x8f: {  	_ = 	snop  }
0x90: {  	(tm) =	ssettm $0x1  }
0x91: {  	s17 =	sld [smem:$0x3FFB];
	_ =	sdelay $0x3  }
0x92: {  	_ =	strace s17  }
0x93: {  	s2 =	sld [smem:$0x3FFC];
	_ =	sdelay $0x3  }
0x94: {  	_ =	strace s2  }
0x95: {  	s2 =	sld [smem:$0x3FFD];
	_ =	sdelay $0x3  }
0x96: {  	_ =	strace s2  }
0x97: {  	_ =	strace $0x8FFFFFFF  }
0x98: {  	s18 =	sld [smem:$0x3FDB];
	_ =	sdelay $0x1  }
0x99: {  	s19 =	simm.s32 $_scs_section_size  }
0x9a: {  	s4 =	simm.s32 $_size__tile_overlayer_lowered;
	s5 =	simm.s32 $_tile_overlayer_lowered  }
0x9b: {  	s22 =	simm.s32 $0x1BFF;
	s21 =	sshll.u32 s5, $0x1;
	s2 =	sadd.s32 s19, s18  }
0x9c: {  	s6 =	simm.s32 $0x0;
	s20 =	sshll.u32 s4, $0x1;
	s4 =	sadd.s32 s21, s2  }
0x9d: {  	[timem:s6], [sflag:s22] =	dma.local [hbm:s4], s20  }
0x9e: {  	_ =	swait.ge [sflag:s22], s20  }
0x9f: {  	s3 =	ssub.s32 $0x0, s20;
	[sflag:s22] =	ssyncset.done $0x0  }
0xa0: {  	[sflag:s22] =	ssyncadd.s32 s3;
	_ =	sdelay $0x1  }
0xa1: {  	s23 =	simm.s32 $0x1B8B  }
0xa2: {  	_ =	swait.ge [sflag:s23], $0x1  }
0xa3: {  	[sflag:s23] =	ssyncset.done $0x0  }
0xa4: {  	s25 =	simm.s32 $0x1B8E;
	s24 =	sld [smem:$0x3FFE];
	[sflag:s23] =	ssyncadd.s32 $0xFFFFFFFF  }
0xa5: {  	s26 =	simm.s32 $execute0_lowered;
	[smem:$0x3FD2] =	sst s25  }
0xa6: {  	s4 =	sshll.u32 s26, $0x1;
	_ =	strace $0x80000046;
	[dreg:$0x1] =	wrdreg $0xFFFFFFFF  }
0xa7: {  	s28 =	simm.s32 $_size_execute0_lowered;
	s2 =	sadd.s32 s2, s4;
	[dreg:$0x0] =	wrdreg $0x0  }
0xa8: {  	s4 =	sshll.u32 s28, $0x1;
	[dreg:$0x2] =	wrdreg s2  }
0xa9: {  	[dreg:$0x3] =	wrdreg s4  }
0xaa: {  	[dreg:$0x4] =	wrdreg $0xC0  }
0xab: {  	_ =	task [dreg:s6], $0x5FFFF  }
0xac: {  	[dreg:$0x1] =	wrdreg $0xFFFFFFFF  }
0xad: {  	[dreg:$0x0] =	wrdreg $0x60  }
0xae: {  	[dreg:$0x2] =	wrdreg s24  }
0xaf: {  	[dreg:$0x3] =	wrdreg $0x9  }
0xb0: {  	_ =	task.clear_ibuf [dreg:s6], $0x4FFFF;
	_ =	strace $0x90000046  }
0xb1: {  	s29 =	simm.s32 $0x9;
	_ =	strace $0x80000048  }
0xb2: {  	_ =	swait.ge [sflag:s29], $0x1  }
0xb3: {  	[sflag:s29] =	ssyncadd.s32 $0xFFFFFFFF  }
0xb4: {  	_ =	strace $0x90000048  }
0xb5: {  	_ =	sfence  }
0xb6: {  	s30 =	sld [smem:$0x0];
	_ =	sdelay $0x2  }
0xb7: {  	s31 =	sshll.u32 s1, $0xD;
	s1 =	sshrl.u32 s1, $0x2  }
0xb8: {  	s3 =	sand.u32 $0x4000, s31;
	s1 =	sadd.s32 s1, s30  }
0xb9: {  	s0 =	sor.u32 s3, s0;
	s1 =	sshll.u32 s1, $0x11  }
0xba: {  	s0 =	sor.u32 s1, s0  }
0xbb: {  	s0 =	sadd.s32 $0x8F2B, s0  }
0xbc: {  	[sflag:s0] =	ssyncadd.remote.s32 $0x1  }
0xbd: {  	_ =	sfence.sel $0xFFFF  }
0xbe: {  	[dreg:$0x0] =	wrdreg $0xFFFFFFFF;
	(pc) =	sbr.abs _section_cstart, $3  }
0xbf: {  	[dreg:$0x1] =	wrdreg $0xFFFFFFFF  }
0xc0: {  	_ =	task.clear_ibuf [dreg:s6], $0x2FFFF;
	_ =	strace $0x9FFFFFFF  }
0xc1: {  	(tm) =	ssettm $0x7FFFFFFF  }
tec
execute0_lowered:
.L_overlay_start_1:
0x0: {  	(tag) =	ssettag $0x1  }
0x1: {  	s1 =	srdreg.scid;
	s3 =	stileid.u32  }
0x2: {  	s0 =	rddreg [dreg:$0x0];
	s1 =	sand.u32 $0x1, s1;
	s3 =	sshll.u32 s3, $0x1  }
0x3: {  	s2 =	simm.s32 $0x0;
	s18 =	simm.s32 $0x3;
	s7 =	sor.u32 s1, s3  }
0x4: {  	s19 =	simm.s32 $0x0;
	s25 =	simm.s32 $0x0;
	s8 =	smul.u32 $0x30, s7  }
0x5: {  	[smem:$0x7FF] =	sst s2;
	s4 =	sadd.s32 $0x83000, s0;
	s5 =	sadd.s32 $0x103000, s0  }
0x6: {  	v0 =	vimm.s32 $0xFEDCBA98;
	s6 =	sadd.s32 $0x183000, s0;
	_ =	strace $0x80000047;
	s8 =	sadd.s32 $0xA00, s8  }
0x7: {  	v1 =	vimm.s32 $0x76543210;
	v0 =	vunpack.c.l.s4.s8 v0;
	s3 =	sadd.s32 $0x3000, s0;
	s1 =	ssub.s32 $0x2, s1;
	s10 =	sshll.u32 s8, $0x7  }
0x8: {  	v1 =	vunpack.c.l.s4.s8 v1;
	s7 =	sshll.u32 s7, $0x4;
	s9 =	sshrl.u32 s1, $0x1;
	s28 =	sadd.s32 s3, s10  }
0x9: {  	v0 =	vunpack.c.0.s8.s32 v0;
	s0 =	sadd.s32 s7, s0;
	s29 =	sadd.s32 s4, s10;
	[dreg:$0x2] =	wrdreg s28  }
0xa: {  	v1 =	vunpack.c.0.s8.s32 v1;
	s1 =	ssub.s32 s1, s9;
	s30 =	sadd.s32 s5, s10;
	[dreg:$0x3] =	wrdreg s29  }
0xb: {  	s12 =	sadd.s32 $0x203000, s0;
	v0 =	vand.u32 $0xF, v0;
	s31 =	sadd.s32 s6, s10;
	[dreg:$0x4] =	wrdreg s30  }
0xc: {  	vm0 =	vmmov $0xff;
	s13 =	smax.u32 s1, $0x1;
	s11 =	sshrl.u32 s8, $0x3;
	v0 =	vcombine.low v0, v1;
	[dreg:$0x5] =	wrdreg s31  }
.LBB2_1:
0xd: {  	s0 =	rddreg [dreg:$0x2]  }
0xe: {  	[tilespmem:s2], [sflag:$0x1] =	stream.linear.gather [hbm4b:s0+s2], $0x2000, $0x38;
	[tilespmem:$0x10080] =	vst v63  }
0xf: {  	s26 =	rddreg [dreg:$0x3];
	s1 =	simm.s32 $0x4000  }
0x10: {  	[tilespmem:s1], [sflag:$0x1] =	stream.linear.gather [hbm4b:s26+s2], $0x2000, $0x38;
	[tilespmem:$0x10080] =	vst v63  }
0x11: {  	s28 =	rddreg [dreg:$0x4];
	s29 =	simm.s32 $0x8000  }
0x12: {  	[tilespmem:s29], [sflag:$0x1] =	stream.linear.gather [hbm4b:s28+s2], $0x2000, $0x38;
	[tilespmem:$0x10080] =	vst v63  }
0x13: {  	s30 =	rddreg [dreg:$0x5];
	s31 =	simm.s32 $0xC000;
	s20 =	simm.s32 $0x0  }
0x14: {  	v11 =	vimm.f32 $0.0e+00;
	[tilespmem:s31], [sflag:$0x1] =	stream.linear.gather [hbm4b:s30+s2], $0x2000, $0x38;
	[tilespmem:$0x10080] =	vst v63  }
.LBB2_3:
0x15: {  	s0 =	smov.u32 s20  }
0x16: {  	s20 =	sadd.s32 $0x1, s20;
	p0 =	seq.s32 s0, $0x5  }
0x17: {  	s7 =	sadd.s32 @!p0 s11, s20  }
0x18: {  	s1 =	sand.u32 @!p0 $0x1, s20;
	s15 =	simm.s32 @!p0 $0x0;
	s7 =	sshll.u32 @!p0 s7, $0xA  }
0x19: {  	s8 =	sadd.s32 @!p0 $0x1, s1;
	s1 =	sshll.u32 @!p0 s1, $0xD;
	s14 =	sadd.s32 @!p0 s3, s7  }
0x1a: {  	[tilespmem:s1], [sflag:s8] =	stream.linear.gather @!p0 [hbm4b:s14+s15], $0x2000, $0x38;
	[tilespmem:$0x10080] =	vst v63  }
0x1b: {  	s16 =	sadd.s32 @!p0 s4, s7;
	s14 =	sor.u32 @!p0 $0x4000, s1  }
0x1c: {  	[tilespmem:s14], [sflag:s8] =	stream.linear.gather @!p0 [hbm4b:s16+s15], $0x2000, $0x38;
	[tilespmem:$0x10080] =	vst v63  }
0x1d: {  	s0 =	sand.u32 $0x1, s0;
	s14 =	sor.u32 @!p0 $0x8000, s1;
	s16 =	sadd.s32 @!p0 s5, s7  }
0x1e: {  	[tilespmem:s14], [sflag:s8] =	stream.linear.gather @!p0 [hbm4b:s16+s15], $0x2000, $0x38;
	[tilespmem:$0x10080] =	vst v63  }
0x1f: {  	s31 =	sadd.s32 $0x1, s0;
	s1 =	sor.u32 @!p0 $0xC000, s1;
	s7 =	sadd.s32 @!p0 s6, s7  }
0x20: {  	[tilespmem:s1], [sflag:s8] =	stream.linear.gather @!p0 [hbm4b:s7+s15], $0x2000, $0x38;
	[tilespmem:$0x10080] =	vst v63  }
0x21: {  	_ =	swait.ge [sflag:s31], $0x2000  }
0x22: {  	[sflag:s31] =	ssyncset.done $0x0  }
0x23: {  	[sflag:s31] =	ssyncadd.s32 $0xFFFFE000  }
0x24: {  	_ =	swait.ge [sflag:s31], $0x2000  }
0x25: {  	[sflag:s31] =	ssyncset.done $0x0  }
0x26: {  	[sflag:s31] =	ssyncadd.s32 $0xFFFFE000  }
0x27: {  	_ =	swait.ge [sflag:s31], $0x2000  }
0x28: {  	[sflag:s31] =	ssyncset.done $0x0  }
0x29: {  	[sflag:s31] =	ssyncadd.s32 $0xFFFFE000  }
0x2a: {  	s21 =	sshll.u32 s0, $0xD;
	_ =	swait.ge [sflag:s31], $0x2000  }
0x2b: {  	s26 =	simm.s32 $0x0;
	s22 =	sor.u32 $0x10, s21;
	[sflag:s31] =	ssyncset.done $0x0  }
0x2c: {  	s23 =	sor.u32 $0x20, s21;
	s24 =	sor.u32 $0x30, s21;
	v1 =	vmov s21;
	[sflag:s31] =	ssyncadd.s32 $0xFFFFE000  }
.LBB2_4:
0x2d: {  	s28 =	sshll.u32 s26, $0x7  }
0x2e: {  	s1 =	sand.u32 $0x40, s25;
	s29 =	sor.u32 s24, s28  }
0x2f: {  	s7 =	sand.u32 $0x1C00, s25;
	s30 =	sor.u32 s23, s28;
	s0 =	sor.u32 s1, s29  }
0x30: {  	s31 =	sor.u32 s22, s28;
	s8 =	sor.u32 s1, s30;
	s14 =	sor.u32 s7, s0  }
0x31: {  	s15 =	sor.u32 s1, s31;
	s0 =	sor.u32 s21, s28;
	s8 =	sor.u32 s7, s8;
	v10 =	vld [tilespmem:s14+$0x0]  }
0x32: {  	s15 =	sor.u32 s7, s15;
	s1 =	sor.u32 s1, s0;
	v12 =	vld [tilespmem:s8+$0x0]  }
0x33: {  	v13 =	vld [tilespmem:s15+$0x0];
	s1 =	sor.u32 s7, s1  }
0x34: {  	v14 =	vld [tilespmem:s1+$0x0];
	_ =	sdelay $0x1  }
0x35: {  	v15 =	vsub.f32 $0.0e+00, v10  }
0x36: {  	v16 =	vsub.f32 $0.0e+00, v12  }
0x37: {  	v17 =	vsub.f32 $0.0e+00, v13;
	v2 =	vmin.f32 v10, v15  }
0x38: {  	v18 =	vsub.f32 $0.0e+00, v14;
	v3 =	vmin.f32 v12, v16;
	v2 =	vmul.f32 $1.442695020e+00, v2  }
0x39: {  	v4 =	vmin.f32 v13, v17;
	v3 =	vmul.f32 $1.442695020e+00, v3  }
0x3a: {  	v4 =	vmul.f32 $1.442695020e+00, v4;
	v5 =	vmin.f32 v14, v18;
	(erf) = vpow2.f32 v2  }
0x3b: {  	v2 =	vmul.f32 $1.442695020e+00, v5;
	(erf) = vpow2.f32 v3  }
0x3c: {  	(erf) = vpow2.f32 v4  }
0x3d: {  	v6 =	vld [tilespmem:s14+$0x8000];
	(erf) = vpow2.f32 v2  }
0x3e: {  	v19 =	vld [tilespmem:s8+$0x4000]  }
0x3f: {  	v20 =	vld [tilespmem:s8+$0x8000]  }
0x40: {  	v22 =	vld [tilespmem:s15+$0x4000]  }
0x41: {  	v24 =	vld [tilespmem:s15+$0x8000]  }
0x42: {  	v2 =	vld [tilespmem:s15+$0xC000]  }
0x43: {  	v3 =	vld [tilespmem:s14+$0xC000];
	v21 =	vpop (erf)  }
0x44: {  	v4 =	vld [tilespmem:s8+$0xC000];
	v23 =	vpop (erf)  }
0x45: {  	v9 =	vld [tilespmem:s1+$0xC000];
	v25 =	vpop (erf)  }
0x46: {  	s17 =	simm.s32 $0x40;
	v26 =	vld [tilespmem:s1+$0x4000];
	v29 =	vsub.f32 $1.000000000e+00, v19;
	v30 =	vmul.f32 $1.000000010e-01, v6;
	v32 =	vsub.f32 $1.000000000e+00, v22;
	v27 =	vpop (erf)  }
0x47: {  	s16 =	sand.u32 $0x40, s17;
	v19 =	vmul.f32 $8.999999760e-01, v19;
	v5 =	vld [tilespmem:s14+$0x4000];
	vm3 =	veq.s32 v2, $0x0;
	v2 =	vadd.f32 $2.000000000e+00, v27  }
0x48: {  	s17 =	sor.u32 s16, s30;
	s10 =	sor.u32 s16, s31;
	v20 =	vmul.f32 $1.000000010e-01, v20;
	v24 =	vmul.f32 $1.000000010e-01, v24;
	s14 =	simm.s32 $0x200;
	vm1 =	veq.s32 v3, $0x0;
	v3 =	vld [tilespmem:s1+$0x8000]  }
0x49: {  	s7 =	sor.u32 s16, s29;
	s16 =	sor.u32 s16, s0;
	s8 =	sand.u32 $0x1C00, s14;
	vm2 =	veq.s32 v4, $0x0;
	v4 =	vadd.f32 $2.000000000e+00, v25;
	(erf) = vrcp.f32 v2  }
0x4a: {  	v22 =	vmul.f32 $8.999999760e-01, v22;
	vm4 =	veq.s32 v9, $0x0;
	s15 =	sor.u32 s8, s16;
	v2 =	vadd.f32 $2.000000000e+00, v23  }
0x4b: {  	v33 =	vsub.f32 $1.000000000e+00, v26;
	v26 =	vmul.f32 $8.999999760e-01, v26;
	v6 =	vld [tilespmem:s15+$0x0];
	(erf) = vrcp.f32 v4  }
0x4c: {  	v35 =	vmax.f32 v15, $0.0e+00;
	v4 =	vadd.f32 $2.000000000e+00, v21;
	(erf) = vrcp.f32 v2  }
0x4d: {  	v15 =	vmax.f32 v17, $0.0e+00;
	v16 =	vmax.f32 v16, $0.0e+00;
	s9 =	sor.u32 s8, s7;
	v34 =	vmul.f32 $1.000000010e-01, v3  }
0x4e: {  	v17 =	vmul.f32 v29, v12;
	v19 =	vadd.f32 v20, v19;
	v7 =	vld [tilespmem:s9+$0x0];
	(erf) = vrcp.f32 v4  }
0x4f: {  	v13 =	vmul.f32 v32, v13;
	v22 =	vadd.f32 v24, v22;
	v26 =	vadd.f32 v34, v26  }
0x50: {  	s17 =	sor.u32 s8, s17;
	v28 =	vsub.f32 $1.000000000e+00, v5;
	v31 =	vmul.f32 $8.999999760e-01, v5;
	v5 =	vsub.f32 $0.0e+00, v6  }
0x51: {  	v12 =	vmax.f32 v18, $0.0e+00;
	v29 =	vmul.f32 v33, v14;
	v8 =	vld [tilespmem:s17+$0x0];
	s1 =	sor.u32 s8, s10;
	v26 =	vsub.f32 $1.000000000e+00, v26  }
0x52: {  	v22 =	vsub.f32 $1.000000000e+00, v22;
	v9 =	vld [tilespmem:s1+$0x0];
	v10 =	vmul.f32 v28, v10;
	v57 =	vmin.f32 v6, v5;
	v14 =	vpop (erf)  }
0x53: {  	v2 =	vsub.f32 $0.0e+00, v7;
	v26 =	vnsel vm4, $0x3F800000, v26;
	v14 =	vmul.f32 v14, v27  }
0x54: {  	v20 =	vmul.f32 $1.442695020e+00, v57;
	v29 =	vmul.f32 v26, v29;
	v27 =	vadd.f32 v30, v31;
	v31 =	vpop (erf)  }
0x55: {  	v28 =	vmin.f32 v7, v2;
	v25 =	vmul.f32 v31, v25;
	v31 =	vpop (erf);
	v58 =	vmul.f32 v14, v14  }
0x56: {  	v4 =	vsub.f32 $0.0e+00, v8;
	v28 =	vmul.f32 $1.442695020e+00, v28;
	v23 =	vmul.f32 v31, v23  }
0x57: {  	v3 =	vsub.f32 $0.0e+00, v9;
	v59 =	vpop (erf);
	v31 =	vmul.f32 v25, v25;
	v24 =	vmul.f32 $1.428571490e-01, v58  }
0x58: {  	v18 =	vmin.f32 v8, v4;
	v32 =	vmul.f32 v59, v21;
	v60 =	vmul.f32 v23, v23  }
0x59: {  	v18 =	vmul.f32 $1.442695020e+00, v18;
	v21 =	vadd.f32 $2.000000030e-01, v24;
	v24 =	vmul.f32 $1.428571490e-01, v31  }
0x5a: {  	v56 =	vmin.f32 v9, v3;
	v37 =	vmul.f32 v32, v32;
	v36 =	vmul.f32 $1.428571490e-01, v60  }
0x5b: {  	(erf) = vpow2.f32 v28;
	v21 =	vmul.f32 v21, v58;
	v24 =	vadd.f32 $2.000000030e-01, v24  }
0x5c: {  	v30 =	vmul.f32 $1.442695020e+00, v56;
	v61 =	vmul.f32 $1.428571490e-01, v37;
	v28 =	vadd.f32 $2.000000030e-01, v36  }
0x5d: {  	(erf) = vpow2.f32 v18;
	v18 =	vadd.f32 $3.333333430e-01, v21;
	v21 =	vmul.f32 v24, v31  }
0x5e: {  	(erf) = vpow2.f32 v30;
	v24 =	vmul.f32 v28, v60;
	v28 =	vadd.f32 $2.000000030e-01, v61  }
0x5f: {  	(erf) = vpow2.f32 v20;
	v18 =	vmul.f32 v18, v58;
	v20 =	vadd.f32 $3.333333430e-01, v21  }
0x60: {  	v30 =	vnsel vm3, $0x3F800000, v22;
	v22 =	vadd.f32 $3.333333430e-01, v24;
	v24 =	vmul.f32 v28, v37  }
0x61: {  	v14 =	vadd.f32 v14, v14;
	v18 =	vadd.f32 $1.000000000e+00, v18;
	v20 =	vmul.f32 v20, v31  }
0x62: {  	v26 =	vld [tilespmem:s9+$0x8000];
	v63 =	vsub.f32 $1.000000000e+00, v27;
	v22 =	vmul.f32 v22, v60;
	v28 =	vadd.f32 $3.333333430e-01, v24  }
0x63: {  	v27 =	vld [tilespmem:s17+$0x8000];
	v25 =	vadd.f32 v25, v25;
	v18 =	vmul.f32 v18, v14;
	v20 =	vadd.f32 $1.000000000e+00, v20  }
0x64: {  	v23 =	vadd.f32 v23, v23;
	v21 =	vld [tilespmem:s9+$0xC000];
	v31 =	vadd.f32 $1.000000000e+00, v22;
	v28 =	vmul.f32 v28, v37  }
0x65: {  	v19 =	vsub.f32 $1.000000000e+00, v19;
	v24 =	vld [tilespmem:s17+$0xC000];
	v18 =	vadd.f32 v18, v12;
	v20 =	vmul.f32 v20, v25  }
0x66: {  	v32 =	vadd.f32 v32, v32;
	v14 =	vld [tilespmem:s1+$0xC000];
	v31 =	vmul.f32 v31, v23;
	v28 =	vadd.f32 $1.000000000e+00, v28  }
0x67: {  	v62 =	vmul.f32 v30, v13;
	v22 =	vld [tilespmem:s9+$0x4000];
	v12 =	vpop (erf);
	v18 =	vadd.f32 v18, v29;
	v20 =	vadd.f32 v20, v15  }
0x68: {  	v23 =	vld [tilespmem:s15+$0xC000];
	v13 =	vpop (erf);
	v29 =	vadd.f32 v31, v16;
	v16 =	vmul.f32 v28, v32;
	v28 =	vnsel vm2, $0x3F800000, v19  }
0x69: {  	v25 =	vld [tilespmem:s17+$0x4000];
	v15 =	vpop (erf);
	v32 =	vmul.f32 v28, v17;
	v30 =	vadd.f32 v18, v11;
	v31 =	vadd.f32 v20, v62  }
0x6a: {  	s16 =	simm.s32 $0x4;
	v33 =	vnsel vm1, $0x3F800000, v63;
	s17 =	simm.s32 $0x80;
	v19 =	vpop (erf);
	v20 =	vld [tilespmem:s1+$0x4000];
	v28 =	vadd.f32 v16, v35  }
.LBB2_5:
0x6b: {  	s9 =	sand.u32 $0x40, s17;
	v16 =	vld [tilespmem:s1+$0x8000];
	s14 =	sadd.s32 $0x200, s14;
	v11 =	vadd.f32 v31, v30;
	v17 =	vadd.f32 v29, v32;
	v10 =	vmul.f32 v33, v10  }
0x6c: {  	vm2 =	veq.s32 v24, $0x0;
	vm1 =	veq.s32 v21, $0x0;
	v21 =	vsub.f32 $1.000000000e+00, v22;
	s10 =	sand.u32 $0x1C00, s14;
	s1 =	sor.u32 s9, s29;
	v18 =	vld [tilespmem:s15+$0x4000]  }
0x6d: {  	vm3 =	veq.s32 v14, $0x0;
	s7 =	sor.u32 s9, s30;
	s8 =	sor.u32 s10, s1;
	v24 =	vld [tilespmem:s15+$0x8000];
	v11 =	vadd.f32 v17, v11;
	v10 =	vadd.f32 v28, v10  }
0x6e: {  	v26 =	vmul.f32 $1.000000010e-01, v26;
	s1 =	sor.u32 s9, s31;
	s7 =	sor.u32 s10, s7;
	v17 =	vadd.f32 $2.000000000e+00, v19;
	v28 =	vsub.f32 $1.000000000e+00, v25;
	v14 =	vld [tilespmem:s8+$0x0]  }
0x6f: {  	v22 =	vmul.f32 $8.999999760e-01, v22;
	vm4 =	veq.s32 v23, $0x0;
	s9 =	sor.u32 s9, s0;
	s1 =	sor.u32 s10, s1;
	v29 =	vld [tilespmem:s7+$0x0];
	v11 =	vadd.f32 v10, v11  }
0x70: {  	s15 =	sor.u32 s10, s9;
	v10 =	vadd.f32 $2.000000000e+00, v15;
	v30 =	vsub.f32 $1.000000000e+00, v20;
	v23 =	vld [tilespmem:s1+$0x0];
	(erf) = vrcp.f32 v17  }
0x71: {  	v31 =	vadd.f32 $2.000000000e+00, v13;
	v25 =	vmul.f32 $8.999999760e-01, v25;
	v27 =	vmul.f32 $1.000000010e-01, v27;
	v17 =	vld [tilespmem:s15+$0x0]  }
0x72: {  	v33 =	vmul.f32 $1.000000010e-01, v16;
	v32 =	vsub.f32 $1.000000000e+00, v18;
	(erf) = vrcp.f32 v10  }
0x73: {  	v20 =	vmul.f32 $8.999999760e-01, v20;
	v10 =	vadd.f32 $2.000000000e+00, v12;
	(erf) = vrcp.f32 v31  }
0x74: {  	v18 =	vmul.f32 $8.999999760e-01, v18;
	v24 =	vmul.f32 $1.000000010e-01, v24;
	v31 =	vsub.f32 $0.0e+00, v14  }
0x75: {  	v35 =	vsub.f32 $0.0e+00, v29;
	v34 =	vsub.f32 $0.0e+00, v23;
	(erf) = vrcp.f32 v10  }
0x76: {  	v16 =	vmax.f32 v2, $0.0e+00;
	v10 =	vmul.f32 v21, v7;
	v7 =	vmovc v14;
	v2 =	vmovc v31;
	v36 =	vsub.f32 $0.0e+00, v17  }
0x77: {  	v37 =	vmax.f32 v4, $0.0e+00;
	v28 =	vmul.f32 v28, v8;
	v8 =	vmovc v29;
	v31 =	vmax.f32 v3, $0.0e+00;
	v3 =	vmovc v34  }
0x78: {  	v30 =	vmul.f32 v30, v9;
	v29 =	vmax.f32 v5, $0.0e+00;
	v14 =	vadd.f32 v26, v22;
	v9 =	vmovc v23;
	v4 =	vmovc v35  }
0x79: {  	v23 =	vmul.f32 v32, v6;
	v21 =	vmin.f32 v8, v4;
	v34 =	vmin.f32 v7, v2;
	v6 =	vpop (erf)  }
0x7a: {  	v22 =	vmin.f32 v9, v3;
	v26 =	vmul.f32 $1.442695020e+00, v34;
	v5 =	vmovc v36;
	v19 =	vmul.f32 v6, v19;
	v6 =	vmovc v17  }
0x7b: {  	v21 =	vmul.f32 $1.442695020e+00, v21;
	v17 =	vmul.f32 $1.442695020e+00, v22;
	v22 =	vadd.f32 v27, v25;
	v25 =	vpop (erf)  }
0x7c: {  	v27 =	vmin.f32 v6, v5;
	v32 =	vmul.f32 v19, v19;
	v15 =	vmul.f32 v25, v15;
	v25 =	vpop (erf)  }
0x7d: {  	v20 =	vadd.f32 v33, v20;
	v27 =	vmul.f32 $1.442695020e+00, v27;
	v13 =	vmul.f32 v25, v13  }
0x7e: {  	s16 =	sadd.s32 $0x4, s16;
	v18 =	vadd.f32 v24, v18;
	v25 =	vmul.f32 $1.428571490e-01, v32;
	v24 =	vmul.f32 v15, v15;
	v33 =	vpop (erf)  }
0x7f: {  	p0 =	slt.u32 s16, $0x38;
	v35 =	vsub.f32 $1.000000000e+00, v14;
	v34 =	vmul.f32 v13, v13;
	v33 =	vmul.f32 v33, v12  }
0x80: {  	v36 =	vsub.f32 $1.000000000e+00, v22;
	v12 =	vadd.f32 $2.000000030e-01, v25;
	v14 =	vmul.f32 $1.428571490e-01, v24  }
0x81: {  	v20 =	vsub.f32 $1.000000000e+00, v20;
	v22 =	vmul.f32 $1.428571490e-01, v34;
	v25 =	vmul.f32 v33, v33  }
0x82: {  	v18 =	vsub.f32 $1.000000000e+00, v18;
	v12 =	vmul.f32 v12, v32;
	v14 =	vadd.f32 $2.000000030e-01, v14  }
0x83: {  	(erf) = vpow2.f32 v26;
	v22 =	vadd.f32 $2.000000030e-01, v22;
	v26 =	vmul.f32 $1.428571490e-01, v25  }
0x84: {  	(erf) = vpow2.f32 v21;
	v12 =	vadd.f32 $3.333333430e-01, v12;
	v14 =	vmul.f32 v14, v24  }
0x85: {  	(erf) = vpow2.f32 v17;
	v17 =	vmul.f32 v22, v34;
	v21 =	vadd.f32 $2.000000030e-01, v26  }
0x86: {  	(erf) = vpow2.f32 v27;
	v12 =	vmul.f32 v12, v32;
	v14 =	vadd.f32 $3.333333430e-01, v14  }
0x87: {  	v20 =	vnsel vm3, $0x3F800000, v20;
	v17 =	vadd.f32 $3.333333430e-01, v17;
	v22 =	vmul.f32 v21, v25  }
0x88: {  	v19 =	vadd.f32 v19, v19;
	v12 =	vadd.f32 $1.000000000e+00, v12;
	v14 =	vmul.f32 v14, v24  }
0x89: {  	v18 =	vnsel vm4, $0x3F800000, v18;
	v21 =	vld [tilespmem:s8+$0xC000];
	v17 =	vmul.f32 v17, v34;
	v22 =	vadd.f32 $3.333333430e-01, v22  }
0x8a: {  	v15 =	vadd.f32 v15, v15;
	v24 =	vld [tilespmem:s7+$0xC000];
	v19 =	vmul.f32 v12, v19;
	v26 =	vadd.f32 $1.000000000e+00, v14  }
0x8b: {  	v27 =	vadd.f32 v13, v13;
	v14 =	vld [tilespmem:s1+$0xC000];
	v17 =	vadd.f32 $1.000000000e+00, v17;
	v25 =	vmul.f32 v22, v25  }
0x8c: {  	v18 =	vmul.f32 v18, v23;
	v22 =	vld [tilespmem:s8+$0x4000];
	v12 =	vpop (erf);
	v34 =	vadd.f32 v19, v29;
	v29 =	vmul.f32 v26, v15  }
.Ltmp0:
0x8d: {  	v32 =	vadd.f32 v33, v33;
	v26 =	vld [tilespmem:s8+$0x8000];
	v13 =	vpop (erf);
	v17 =	vmul.f32 v17, v27;
	v27 =	vadd.f32 $1.000000000e+00, v25;
	(pc) =	sbr.rel @p0 .LBB2_5-.Ltmp0, $4  }
0x8e: {  	v20 =	vmul.f32 v20, v30;
	v23 =	vld [tilespmem:s15+$0xC000];
	v15 =	vpop (erf);
	v18 =	vadd.f32 v34, v18;
	v31 =	vadd.f32 v29, v31  }
0x8f: {  	v25 =	vld [tilespmem:s7+$0x4000];
	v19 =	vpop (erf);
	v29 =	vadd.f32 v17, v37;
	v17 =	vnsel vm2, $0x3F800000, v36;
	v33 =	vmul.f32 v27, v32  }
0x90: {  	v27 =	vld [tilespmem:s7+$0x8000];
	v30 =	vadd.f32 v18, v11;
	v31 =	vadd.f32 v31, v20;
	v32 =	vmul.f32 v17, v28  }
0x91: {  	s17 =	sadd.s32 $0x40, s17;
	v20 =	vld [tilespmem:s1+$0x4000];
	v28 =	vadd.f32 v33, v16;
	v33 =	vnsel vm1, $0x3F800000, v35  }
0x92: {  	s0 =	sadd.s32 s21, s28  }
0x93: {  	s7 =	sor.u32 $0x1C40, s0  }
0x94: {  	v16 =	vld [tilespmem:s7+$0x0];
	_ =	sdelay $0x3  }
0x95: {  	v11 =	vadd.f32 $2.000000000e+00, v19  }
0x96: {  	v17 =	vadd.f32 $2.000000000e+00, v15;
	v18 =	vsub.f32 $0.0e+00, v16  }
0x97: {  	(erf) = vrcp.f32 v11;
	v11 =	vadd.f32 $2.000000000e+00, v13  }
0x98: {  	v49 =	vadd.f32 $2.000000000e+00, v12;
	(erf) = vrcp.f32 v17;
	v34 =	vmin.f32 v16, v18  }
0x99: {  	(erf) = vrcp.f32 v11;
	v11 =	vmul.f32 $1.442695020e+00, v34  }
0x9a: {  	(erf) = vrcp.f32 v49  }
0x9b: {  	(erf) = vpow2.f32 v11;
	_ =	sdelay $0x1  }
0x9c: {  	s31 =	sor.u32 $0x1C50, s0  }
0x9d: {  	v11 =	vld [tilespmem:s31+$0x0];
	_ =	sdelay $0x1  }
0x9e: {  	v50 =	vpop (erf)  }
0x9f: {  	v35 =	vpop (erf)  }
0xa0: {  	v36 =	vpop (erf)  }
0xa1: {  	v37 =	vpop (erf);
	v17 =	vsub.f32 $0.0e+00, v11  }
0xa2: {  	v30 =	vadd.f32 v31, v30;
	v38 =	vpop (erf)  }
0xa3: {  	v29 =	vadd.f32 v29, v32;
	v40 =	vmin.f32 v11, v17;
	v39 =	vadd.f32 $2.000000000e+00, v38  }
0xa4: {  	v53 =	vmul.f32 v33, v10;
	vm2 =	veq.s32 v24, $0x0;
	v40 =	vmul.f32 $1.442695020e+00, v40  }
0xa5: {  	v51 =	vld [tilespmem:s15+$0x8000];
	vm1 =	veq.s32 v21, $0x0;
	v21 =	vmul.f32 $1.000000010e-01, v26;
	(erf) = vrcp.f32 v39  }
0xa6: {  	v52 =	vld [tilespmem:s15+$0x4000];
	v54 =	vsub.f32 $1.000000000e+00, v22;
	v55 =	vmul.f32 $8.999999760e-01, v22;
	(erf) = vpow2.f32 v40  }
0xa7: {  	v5 =	vmax.f32 v5, $0.0e+00;
	v2 =	vmax.f32 v2, $0.0e+00;
	v3 =	vmax.f32 v3, $0.0e+00;
	s0 =	sor.u32 $0x1C60, s0  }
0xa8: {  	v4 =	vmax.f32 v4, $0.0e+00;
	vm3 =	veq.s32 v23, $0x0;
	v10 =	vld.msk [tilespmem:s0+$0x0], $0xff;
	v57 =	vsub.f32 $1.000000000e+00, v25  }
0xa9: {  	v58 =	vmul.f32 $8.999999760e-01, v25;
	v29 =	vadd.f32 v29, v30;
	v28 =	vadd.f32 v28, v53  }
0xaa: {  	v21 =	vadd.f32 v21, v55;
	v56 =	vmul.f32 $1.000000010e-01, v27;
	v60 =	vsub.f32 $1.000000000e+00, v20  }
0xab: {  	v28 =	vadd.f32 v28, v29;
	v59 =	vmul.f32 $1.000000010e-01, v51;
	v62 =	vmul.f32 $8.999999760e-01, v52  }
0xac: {  	v24 =	vmul.f32 v54, v7;
	v21 =	vsub.f32 $1.000000000e+00, v21;
	v25 =	vadd.f32 v56, v58  }
0xad: {  	v8 =	vmul.f32 v57, v8;
	v7 =	vsub.f32 $0.0e+00, v10;
	v56 =	vadd.f32 v59, v62  }
0xae: {  	v9 =	vmul.f32 v60, v9;
	v59 =	vmul.f32 $8.999999760e-01, v20;
	v25 =	vsub.f32 $1.000000000e+00, v25;
	v30 =	vpop (erf)  }
0xaf: {  	v46 =	vmin.f32 v10, v7;
	v26 =	vsub.f32 $1.000000000e+00, v56;
	v61 =	vmul.f32 v50, v19;
	v43 =	vpop (erf)  }
0xb0: {  	v48 =	vmul.f32 $1.442695020e+00, v46;
	v41 =	vmul.f32 v35, v15;
	v45 =	vadd.f32 $2.000000000e+00, v43  }
0xb1: {  	v18 =	vmax.f32 v18, $0.0e+00;
	v63 =	vmul.f32 v61, v61;
	v42 =	vmul.f32 v36, v13  }
0xb2: {  	v7 =	vmax.f32 v7, $0.0e+00;
	v47 =	vmul.f32 v37, v12;
	(erf) = vrcp.f32 v45  }
0xb3: {  	v26 =	vnsel vm3, $0x3F800000, v26;
	v44 =	vmul.f32 $1.428571490e-01, v63;
	(erf) = vpow2.f32 v48  }
0xb4: {  	v50 =	vsub.f32 $1.000000000e+00, v52;
	v52 =	vld [tilespmem:s1+$0x8000];
	v49 =	vmul.f32 v41, v41;
	v54 =	vmul.f32 v47, v47  }
0xb5: {  	v19 =	vadd.f32 v61, v61;
	v51 =	vmul.f32 v42, v42;
	v33 =	vadd.f32 $2.000000030e-01, v44  }
0xb6: {  	v15 =	vadd.f32 v41, v41;
	v53 =	vmul.f32 $1.428571490e-01, v49;
	v57 =	vmul.f32 $1.428571490e-01, v54  }
0xb7: {  	v13 =	vadd.f32 v42, v42;
	v55 =	vmul.f32 $1.428571490e-01, v51;
	v33 =	vmul.f32 v33, v63  }
0xb8: {  	v6 =	vmul.f32 v50, v6;
	v29 =	vadd.f32 $2.000000030e-01, v53;
	v32 =	vadd.f32 $2.000000030e-01, v57  }
0xb9: {  	v23 =	vmul.f32 $1.000000010e-01, v52;
	v58 =	vadd.f32 $2.000000030e-01, v55;
	v33 =	vadd.f32 $3.333333430e-01, v33  }
0xba: {  	v12 =	vadd.f32 v47, v47;
	v29 =	vmul.f32 v29, v49;
	v32 =	vmul.f32 v32, v54  }
0xbb: {  	v20 =	vadd.f32 v23, v59;
	v27 =	vmul.f32 v33, v63;
	v33 =	vmul.f32 v58, v51;
	v61 =	vpop (erf)  }
0xbc: {  	vm3 =	veq.s32 v14, $0x0;
	v29 =	vadd.f32 $3.333333430e-01, v29;
	v32 =	vadd.f32 $3.333333430e-01, v32;
	v62 =	vpop (erf)  }
0xbd: {  	v6 =	vmul.f32 v26, v6;
	v60 =	vadd.f32 $3.333333430e-01, v33;
	v63 =	vadd.f32 $2.000000000e+00, v62  }
0xbe: {  	v29 =	vmul.f32 v29, v49;
	v27 =	vadd.f32 $1.000000000e+00, v27;
	v22 =	vmul.f32 v32, v54  }
0xbf: {  	v39 =	vnsel vm2, $0x3F800000, v25;
	v23 =	vmul.f32 v60, v51;
	(erf) = vrcp.f32 v63  }
0xc0: {  	v35 =	vadd.f32 $1.000000000e+00, v29;
	v19 =	vmul.f32 v27, v19;
	v36 =	vadd.f32 $1.000000000e+00, v22  }
0xc1: {  	v20 =	vsub.f32 $1.000000000e+00, v20;
	v8 =	vmul.f32 v39, v8;
	v23 =	vadd.f32 $1.000000000e+00, v23  }
0xc2: {  	v52 =	vld.idx.msk [tilespmem:v1+s28+$0x5C60 ss:$0x1], $0xff;
	v14 =	vmul.f32 v35, v15;
	v5 =	vadd.f32 v19, v5;
	v12 =	vmul.f32 v36, v12  }
0xc3: {  	v57 =	vld.idx.msk [tilespmem:v1+s28+$0xDC60 ss:$0x1], $0xff;
	v20 =	vnsel vm3, $0x3F800000, v20;
	v13 =	vmul.f32 v23, v13;
	v32 =	vmul.f32 v30, v38  }
0xc4: {  	v3 =	vadd.f32 v14, v3;
	v5 =	vadd.f32 v5, v6;
	v38 =	vmul.f32 v20, v9  }
0xc5: {  	v51 =	vld.idx.msk [tilespmem:v1+s28+$0x9C50 ss:$0x1], $0xffff;
	v2 =	vadd.f32 v12, v2;
	v4 =	vadd.f32 v13, v4;
	v37 =	vmul.f32 v32, v32  }
0xc6: {  	v41 =	vnsel vm1, $0x3F800000, v21;
	v5 =	vadd.f32 v5, v28;
	v3 =	vadd.f32 v3, v38  }
0xc7: {  	v42 =	vld.idx.msk [tilespmem:v1+s28+$0x9C40 ss:$0x1], $0xffff;
	v4 =	vadd.f32 v4, v8;
	v8 =	vmul.f32 v41, v24;
	v9 =	vmul.f32 $1.428571490e-01, v37  }
0xc8: {  	v58 =	vmul.f32 $8.999999760e-01, v52;
	vm2 =	veq.s32 v57, $0x0;
	v45 =	vld.idx.msk [tilespmem:v1+s28+$0x5C40 ss:$0x1], $0xffff;
	v3 =	vadd.f32 v3, v5;
	v44 =	vpop (erf)  }
0xc9: {  	v2 =	vadd.f32 v2, v8;
	v8 =	vld.idx.msk [tilespmem:v1+s28+$0xDC40 ss:$0x1], $0xffff;
	v40 =	vadd.f32 $2.000000030e-01, v9;
	v14 =	vmul.f32 v44, v62  }
0xca: {  	v54 =	vmul.f32 $1.000000010e-01, v51;
	v48 =	vld.idx.msk [tilespmem:v1+s28+$0x5C50 ss:$0x1], $0xffff;
	v3 =	vadd.f32 v4, v3;
	v9 =	vmul.f32 v61, v43  }
0xcb: {  	v19 =	vadd.f32 v32, v32;
	v6 =	vmul.f32 v40, v37;
	v47 =	vmul.f32 v14, v14  }
0xcc: {  	v2 =	vadd.f32 v2, v3;
	v3 =	vmul.f32 $1.000000010e-01, v42;
	v43 =	vmul.f32 v9, v9  }
0xcd: {  	v50 =	vmul.f32 $8.999999760e-01, v45;
	v6 =	vadd.f32 $3.333333430e-01, v6;
	v49 =	vmul.f32 $1.428571490e-01, v47  }
0xce: {  	v12 =	vsub.f32 $1.000000000e+00, v45;
	vm1 =	veq.s32 v8, $0x0;
	v46 =	vmul.f32 $1.428571490e-01, v43  }
0xcf: {  	v8 =	vld.idx.msk [tilespmem:v1+s28+$0x9C60 ss:$0x1], $0xff;
	v5 =	vsub.f32 $1.000000000e+00, v48;
	v6 =	vmul.f32 v6, v37;
	v20 =	vadd.f32 $2.000000030e-01, v49  }
0xd0: {  	v55 =	vmul.f32 $8.999999760e-01, v48;
	v3 =	vadd.f32 v3, v50;
	v15 =	vadd.f32 $2.000000030e-01, v46  }
0xd1: {  	v12 =	vmul.f32 v12, v16;
	v6 =	vadd.f32 $1.000000000e+00, v6;
	v53 =	vmul.f32 v20, v47  }
0xd2: {  	v56 =	vld.idx.msk [tilespmem:v1+s28+$0xDC50 ss:$0x1], $0xffff;
	v60 =	vmax.f32 v17, $0.0e+00;
	v5 =	vmul.f32 v5, v11;
	v15 =	vmul.f32 v15, v43  }
0xd3: {  	v3 =	vsub.f32 $1.000000000e+00, v3;
	v6 =	vmul.f32 v6, v19;
	v19 =	vadd.f32 $3.333333430e-01, v53  }
0xd4: {  	v61 =	vsub.f32 $1.000000000e+00, v52;
	v8 =	vmul.f32 $1.000000010e-01, v8;
	v15 =	vadd.f32 $3.333333430e-01, v15  }
0xd5: {  	v3 =	vnsel vm1, $0x3F800000, v3;
	v9 =	vadd.f32 v9, v9;
	v4 =	vmul.f32 v19, v47  }
0xd6: {  	v8 =	vadd.f32 v8, v58;
	v13 =	vmul.f32 v15, v43;
	v15 =	vadd.f32 v54, v55  }
0xd7: {  	vm1 =	veq.s32 v56, $0x0;
	v14 =	vadd.f32 v14, v14;
	v4 =	vadd.f32 $1.000000000e+00, v4  }
0xd8: {  	v3 =	vmul.f32 v3, v12;
	v8 =	vsub.f32 $1.000000000e+00, v8;
	v13 =	vadd.f32 $1.000000000e+00, v13  }
0xd9: {  	v10 =	vmul.f32 v61, v10;
	v59 =	vsub.f32 $1.000000000e+00, v15;
	v4 =	vmul.f32 v4, v14  }
0xda: {  	v6 =	vadd.f32 v6, v18;
	v8 =	vnsel vm2, $0x3F800000, v8;
	v9 =	vmul.f32 v13, v9  }
0xdb: {  	v62 =	vmul.f32 v8, v10;
	v11 =	vnsel vm1, $0x3F800000, v59;
	v4 =	vadd.f32 v4, v7  }
0xdc: {  	s26 =	sadd.s32 $0x1, s26;
	v3 =	vadd.f32 v6, v3;
	v5 =	vmul.f32 v11, v5;
	v63 =	vadd.f32 v9, v60  }
0xdd: {  	p0 =	seq.s32 s26, $0x8;
	v4 =	vadd.f32 v4, v62  }
.Ltmp1:
0xde: {  	v2 =	vadd.f32 v3, v2;
	v3 =	vadd.f32 v63, v5;
	(pc) =	sbr.rel @!p0 .LBB2_4-.Ltmp1, $4  }
0xdf: {  	v4 =	vperm.xlane v4, v0  }
0xe0: {  	v2 =	vadd.f32 v3, v2  }
0xe1: {  	v3 =	vsel vm0, $0x0, v4  }
0xe2: {  	v11 =	vadd.f32 v2, v3  }
0xe3: {  	p0 =	seq.s32 s20, $0x6  }
.Ltmp2:
0xe4: {  	_ = 	snop;
	(pc) =	sbr.rel @!p0 .LBB2_3-.Ltmp2, $1  }
0xe5: {  	_ =	sdelay $0x3  }
0xe6: {  	s19 =	sadd.s32 $0x1, s19  }
0xe7: {  	p0 =	sne.s32 s19, s13  }
.Ltmp3:
0xe8: {  	[tilespmem:$0x10000] =	vst v11;
	s0 =	simm.s32 $0x10000;
	(pc) =	sbr.rel @p0 .LBB2_1-.Ltmp3, $4  }
0xe9: {  	[hbm4b:s12+s2] =	stream.linear.scatter [tilespmem:s0], [sflag:$0x3], $0x80, $0x38;
	[tilespmem:$0x10080] =	vst v63  }
0xea: {  	_ =	swait.ge [sflag:s18], $0x80  }
0xeb: {  	[sflag:s18] =	ssyncset.done $0x0  }
0xec: {  	[sflag:s18] =	ssyncadd.s32 $0xFFFFFF80  }
0xed: {  	_ =	sfence.sel $0x180000  }
0xee: {  	[bflag:$0x0] =	sbarrier.arrive $0xFFFF  }
0xef: {  	_ =	strace $0x90000047  }
0xf0: {  	s0 =	stileid.u32;
	[bflag:$0x2] =	sbarrier.arrive $0xFFFF  }
0xf1: {  	p0 =	sne.s32 s0, $0x0;
	s0 =	rddreg [dreg:$0x1]  }
0xf2: {  	s0 =	sadd.s32 @!p0 $0x100000, s0  }
0xf3: {  	[sflag:s0] =	ssyncadd.tile.s32 @!p0 $0x1;
	_ =	shalt  }
.Lfunc_end2:
_tile_overlayer_lowered:
.L_overlay_start_2:
0xf4: {  	(tag) =	ssettag $0x2  }
0xf5: {  	s0 =	rddreg [dreg:$0x0];
	s2 =	stileid.u32  }
0xf6: {  	s1 =	rddreg [dreg:$0x1];
	p0 =	sne.s32 s2, $0x0  }
0xf7: {  	s3 =	rddreg [dreg:$0x2];
	[bflag:$0x3] =	sbarrier.arrive $0xFFFF;
	s2 =	simm.s32 @!p0 $0x1C03  }
0xf8: {  	[timem:s3], [sflag:s2] =	dma.local @!p0 [hbm:s0], s1  }
0xf9: {  	s0 =	simm.s32 @!p0 $0x3  }
0xfa: {  	_ =	swait.ge @!p0 [sflag:s0], s1  }
0xfb: {  	s1 =	ssub.s32 @!p0 $0x0, s1;
	[sflag:s0] =	ssyncset.done @!p0 $0x0  }
0xfc: {  	[sflag:s0] =	ssyncadd.s32 @!p0 s1  }
0xfd: {  	[bflag:$0x3] =	sbarrier.arrive $0xFFFF  }
0xfe: {  	_ =	shalt  }

</sc_bundles>
